<compile_context>
chip_gen: v7x
topology: tpu7x:2x2x1
jax: 0.10.2.dev20260603
libtpu: 0.0.44.dev20260713+nightly
codegen_flags: <defaults>
</compile_context>

<pallas_src>
import functools

import jax
import jax.numpy as jnp
from jax import lax
from jax.experimental import pallas as pl
from jax.experimental.pallas import tpu as pltpu
from jax.experimental.pallas import tpu_sc as plsc

N = 2048
L = 16
NC, NS = 2, 16
NW = NC * NS
ROWS_PER_W = N // NW
NCHUNK = N // L
NFINE = 64
NCOARSE = 16

_MESH = plsc.VectorSubcoreMesh(
    core_axis_name="c", subcore_axis_name="s", num_cores=NC, num_subcores=NS
)


@functools.partial(
    pl.kernel,
    out_type=jax.ShapeDtypeStruct((NW, ROWS_PER_W * NCOARSE), jnp.float32),
    mesh=_MESH,
    compiler_params=pltpu.CompilerParams(needs_layout_passes=False),
    scratch_types=[
        pltpu.VMEM((2 * N,), jnp.float32),
        pltpu.VMEM((N,), jnp.float32),
        pltpu.VMEM((N,), jnp.float32),
        pltpu.VMEM((NFINE * NCOARSE,), jnp.float32),
        pltpu.VMEM((ROWS_PER_W * NCOARSE,), jnp.float32),
        pltpu.VMEM((32,), jnp.int32),
        pltpu.VMEM((32,), jnp.int32),
    ],
)
def _sc_grid_kernel(pos_hbm, out_hbm, pos_v, x_v, y_v, occ_v, grid_v, lutx_v, luty_v):
    wid = lax.axis_index("s") * NC + lax.axis_index("c")
    base = wid * ROWS_PER_W
    pltpu.sync_copy(pos_hbm, pos_v)

    jbase = lax.iota(jnp.int32, L)
    ones = jnp.ones((L,), jnp.float32)
    zeros = jnp.zeros((L,), jnp.float32)

    @plsc.parallel_loop(0, N, step=L, unroll=8)
    def deint(j0):
        idx = (jbase + j0) << 1
        x_v[pl.ds(j0, L)] = plsc.load_gather(pos_v, [idx]) * 4.0
        y_v[pl.ds(j0, L)] = plsc.load_gather(pos_v, [idx + 1]) * 4.0

    for k in range(2):
        f = jbase + k * L
        lutx_v[pl.ds(k * L, L)] = ((f & 7) << 7) | ((f >> 3) << 2)
        luty_v[pl.ds(k * L, L)] = ((f & 7) << 4) | (f >> 3)

    for k in range(NFINE):
        occ_v[pl.ds(k * L, L)] = zeros

    def row_body(r, row_carry):
        i = base + r
        ibc = jnp.full((L,), i, jnp.int32)
        xi = plsc.load_gather(x_v, [ibc])
        yi = plsc.load_gather(y_v, [ibc])
        plsc.store_scatter(x_v, [ibc], jnp.full((L,), 1e9, jnp.float32))

        @plsc.parallel_loop(0, N, step=L, unroll=8)
        def j_body(j0):
            dx = x_v[pl.ds(j0, L)] - xi
            dy = y_v[pl.ds(j0, L)] - yi
            tx = dx + 16.0
            ty = dy + 16.0
            fx = tx.astype(jnp.int32)
            fy = ty.astype(jnp.int32)
            ub = (
                lax.bitcast_convert_type(fx, jnp.uint32)
                | lax.bitcast_convert_type(fy, jnp.uint32)
            ) < jnp.uint32(32)
            m = (jnp.minimum(dx, dy) >= -16.0) & ub
            cell = plsc.load_gather(lutx_v, [fx], mask=m) + plsc.load_gather(
                luty_v, [fy], mask=m
            )
            plsc.store_scatter(occ_v, [cell], ones, mask=m)

        plsc.store_scatter(x_v, [ibc], xi)

        @plsc.parallel_loop(0, NFINE, step=8, unroll=2, carry=tuple([zeros] * 8))
        def pool_body(k, accs):
            out = []
            for t in range(8):
                v = occ_v[pl.ds((k + t) * L, L)]
                occ_v[pl.ds((k + t) * L, L)] = zeros
                out.append(accs[t] + v)
            return tuple(out)

        accs = list(pool_body)
        while len(accs) > 1:
            accs = [accs[a] + accs[a + 1] for a in range(0, len(accs), 2)]
        grid_v[pl.ds(r * NCOARSE, NCOARSE)] = accs[0]
        return row_carry

    lax.fori_loop(0, ROWS_PER_W, row_body, None)
    pltpu.sync_copy(grid_v, out_hbm.at[wid])


def _tc_linear_body(g_ref, w_ref, b_ref, o_ref):
    acc = lax.dot_general(
        g_ref[...], w_ref[...], (((1,), (1,)), ((), ())),
        preferred_element_type=jnp.float32,
    )
    o_ref[...] = jnp.maximum(acc + b_ref[...], 0.0)


def kernel(hidden_state, obs1, obs2, W, b):
    grid = _sc_grid_kernel(obs2.reshape(-1)).reshape(N, NCOARSE)
    out = pl.pallas_call(
        _tc_linear_body,
        out_shape=jax.ShapeDtypeStruct((N, W.shape[0]), jnp.float32),
    )(grid, W, b.reshape(1, -1))
    return out

# --- scband reference (transcript-rebuilt; emitter-appended) ---
"""Pipeline reference for scband-pooling-24558622999100 (READ-ONLY COPY).

The authoritative reference and input builder live on the scoring server;
editing this copy changes nothing except your own understanding.
"""

import jax, jax.numpy as jnp
import numpy as np

CELL_SIDE = 2.0
N_CELLS = 4
POOL_SIZE = 8
SIDE = N_CELLS * POOL_SIZE  # 32
HIDDEN = 128
OUT_DIM = 128
NPED = 2048


def setup_inputs(seed: int = 0) -> dict:
    key = jax.random.key(seed)
    k1, k2, k3, k4, k5 = jax.random.split(key, 5)
    hidden_state = jax.random.normal(k1, (NPED, HIDDEN), dtype=jnp.float32)
    obs1 = jax.random.normal(k2, (NPED, 2), dtype=jnp.float32)
    obs2 = jax.random.normal(k3, (NPED, 2), dtype=jnp.float32)
    in_feat = N_CELLS * N_CELLS  # pooling_dim = 1 for occupancy
    W = jax.random.normal(k4, (OUT_DIM, in_feat), dtype=jnp.float32) * (1.0 / np.sqrt(in_feat))
    b = jax.random.normal(k5, (OUT_DIM,), dtype=jnp.float32) * 0.01
    return {"hidden_state": hidden_state, "obs1": obs1, "obs2": obs2, "W": W, "b": b}


def reference(hidden_state, obs1, obs2, W, b):
    # Faithful vectorized translation of Pooling(type_='occupancy', front=False).forward.
    # For each pedestrian i: scatter 1.0 into a 32x32 sub-grid at the cells occupied by
    # all other pedestrians (within range), then lp_pool2d(p=1, kernel=pool_size) = sum-pool
    # down to 4x4, flatten, and apply Linear+ReLU embedding.
    N = obs2.shape[0]
    rel = obs2[None, :, :] - obs2[:, None, :]              # [N, N, 2] other - self
    oij = rel / (CELL_SIDE / POOL_SIZE) + SIDE / 2.0        # [N, N, 2]
    valid = jnp.all((oij >= 0) & (oij < SIDE), axis=-1)     # range check (on floats, as torch)
    valid = valid & (~jnp.eye(N, dtype=bool))               # one_cold: exclude self
    valid = valid & (~jnp.isnan(obs2[None, :, 0]))          # mask = ~isnan(other_xy[:,0])
    valid = valid & (~jnp.isnan(obs2[:, 0:1]))              # xy[0] != xy[0] -> zeros row
    oij_i = oij.astype(jnp.int32)                           # .long() trunc == floor for >=0
    oi = oij_i[..., 0] * SIDE + oij_i[..., 1]               # [N, N] flat cell index
    oi = jnp.where(valid, oi, SIDE * SIDE)                  # out-of-bounds sentinel -> dropped
    occ = jnp.zeros((N, SIDE * SIDE), dtype=jnp.float32)
    occ = occ.at[jnp.arange(N)[:, None], oi].set(1.0, mode='drop')  # occ[oi] = ones (overwrite)
    occ2d = occ.reshape(N, SIDE, SIDE)
    # blur_size == 0 -> no avg_pool blur; lp_pool2d(p=1, kernel=POOL_SIZE) == non-overlapping sum
    pooled = occ2d.reshape(N, N_CELLS, POOL_SIZE, N_CELLS, POOL_SIZE).sum(axis=(2, 4))
    grid = pooled.reshape(N, N_CELLS * N_CELLS)
    return jax.nn.relu(grid @ W.T + b)

if __name__ == "__main__":
    import jax
    _d = setup_inputs()
    print(jax.jit(kernel)(*tuple(_d.values())))

</pallas_src>

<mosaic_0001>
#map = affine_map<(d0, d1) -> (0)>
#map1 = affine_map<(d0, d1) -> (0, 0)>
module attributes {stable_mosaic.version = 14 : i64} {
  func.func @_sc_grid_kernel(%arg0: i32, %arg1: i32, %arg2: memref<4096xf32, #tpu.memory_space<hbm>>, %arg3: memref<32x1024xf32, #tpu.memory_space<hbm>>, %arg4: memref<4096xf32, #tpu.memory_space<vmem>>, %arg5: memref<2048xf32, #tpu.memory_space<vmem>>, %arg6: memref<2048xf32, #tpu.memory_space<vmem>>, %arg7: memref<1024xf32, #tpu.memory_space<vmem>>, %arg8: memref<1024xf32, #tpu.memory_space<vmem>>, %arg9: memref<32xi32, #tpu.memory_space<vmem>>, %arg10: memref<32xi32, #tpu.memory_space<vmem>>) attributes {dimension_semantics = [#tpu.dimension_semantics<core_parallel>, #tpu.dimension_semantics<subcore_parallel>], iteration_bounds = array<i64: 2, 16>, scalar_prefetch = 0 : i64, scratch_operands = 7 : i64, tpu.core_type = #tpu.core_type<sc_vector_subcore>, window_params = [{transform_indices = #map}, {transform_indices = #map1}]} {
    %mul3A = arith.constant 2 : i32
    %mul3A_0 = arith.muli %arg1, %mul3A : i32
    %add3A = arith.addi %mul3A_0, %arg0 : i32
    %mul3A_1 = arith.constant 64 : i32
    %mul3A_2 = arith.muli %add3A, %mul3A_1 : i32
    "tpu.region"() ({
      %run_scoped3A = tpu.sem_alloc : memref<!tpu.dma_semaphore, #tpu.memory_space<semaphore_mem>>
      tpu.enqueue_dma source(%arg2 : memref<4096xf32, #tpu.memory_space<hbm>>) target(%arg4 : memref<4096xf32, #tpu.memory_space<vmem>>) target_semaphore(%run_scoped3A : memref<!tpu.dma_semaphore, #tpu.memory_space<semaphore_mem>>)
      tpu.wait_dma2 semaphore(%run_scoped3A : memref<!tpu.dma_semaphore, #tpu.memory_space<semaphore_mem>>) src(%arg2 : memref<4096xf32, #tpu.memory_space<hbm>>) dst(%arg4 : memref<4096xf32, #tpu.memory_space<vmem>>)
      tpu.yield
    }) : () -> ()
    %iota3A = tpu.iota {dimensions = array<i32: 0>} : vector<16xi32>
    %broadcast_in_dim3A = arith.constant 1.000000e+00 : f32
    %broadcast_in_dim3A_3 = vector.broadcast %broadcast_in_dim3A : f32 to vector<16xf32>
    %broadcast_in_dim3A_4 = arith.constant 0.000000e+00 : f32
    %broadcast_in_dim3A_5 = vector.broadcast %broadcast_in_dim3A_4 : f32 to vector<16xf32>
    %parallel_loop3A = arith.constant 0 : i32
    %parallel_loop3A_6 = arith.constant 2048 : i32
    %parallel_loop3A_7 = arith.constant 16 : i32
    scf.for %parallel_loop3A_195 = %parallel_loop3A to %parallel_loop3A_6 step %parallel_loop3A_7  : i32 {
      %parallel_loop3A_196 = vector.broadcast %parallel_loop3A_195 : i32 to vector<16xi32>
      %parallel_loop3A_197 = arith.addi %iota3A, %parallel_loop3A_196 : vector<16xi32>
      %parallel_loop3A_198 = arith.constant 1 : i32
      %parallel_loop3A_199 = vector.broadcast %parallel_loop3A_198 : i32 to vector<16xi32>
      %parallel_loop3A_200 = arith.shli %parallel_loop3A_197, %parallel_loop3A_199 : vector<16xi32>
      %parallel_loop3A_201 = tpu.vector_load_idx %arg4[%parallel_loop3A_200] : memref<4096xf32, #tpu.memory_space<vmem>>[vector<16xi32>], vector<16xf32>,
      %parallel_loop3A_202 = arith.constant 4.000000e+00 : f32
      %parallel_loop3A_203 = vector.broadcast %parallel_loop3A_202 : f32 to vector<16xf32>
      %parallel_loop3A_204 = arith.mulf %parallel_loop3A_201, %parallel_loop3A_203 : vector<16xf32>
      %parallel_loop3A_205 = arith.index_cast %parallel_loop3A_195 : i32 to index
      %parallel_loop3A_206 = tpu.vector_load %arg5[%parallel_loop3A_205] {strides = array<i32>} : memref<2048xf32, #tpu.memory_space<vmem>>, vector<16xf32>,
      tpu.vector_store %arg5[%parallel_loop3A_205], %parallel_loop3A_204 {strides = array<i32>} : memref<2048xf32, #tpu.memory_space<vmem>>, vector<16xf32>,
      %parallel_loop3A_207 = arith.constant 1 : i32
      %parallel_loop3A_208 = vector.broadcast %parallel_loop3A_207 : i32 to vector<16xi32>
      %parallel_loop3A_209 = arith.addi %parallel_loop3A_200, %parallel_loop3A_208 : vector<16xi32>
      %parallel_loop3A_210 = tpu.vector_load_idx %arg4[%parallel_loop3A_209] : memref<4096xf32, #tpu.memory_space<vmem>>[vector<16xi32>], vector<16xf32>,
      %parallel_loop3A_211 = arith.constant 4.000000e+00 : f32
      %parallel_loop3A_212 = vector.broadcast %parallel_loop3A_211 : f32 to vector<16xf32>
      %parallel_loop3A_213 = arith.mulf %parallel_loop3A_210, %parallel_loop3A_212 : vector<16xf32>
      %parallel_loop3A_214 = arith.index_cast %parallel_loop3A_195 : i32 to index
      %parallel_loop3A_215 = tpu.vector_load %arg6[%parallel_loop3A_214] {strides = array<i32>} : memref<2048xf32, #tpu.memory_space<vmem>>, vector<16xf32>,
      tpu.vector_store %arg6[%parallel_loop3A_214], %parallel_loop3A_213 {strides = array<i32>} : memref<2048xf32, #tpu.memory_space<vmem>>, vector<16xf32>,
    } {sc.loop_unroll_factor = 8 : i64, sc.parallel_access}
    %add3A_8 = arith.constant 0 : i32
    %add3A_9 = vector.broadcast %add3A_8 : i32 to vector<16xi32>
    %add3A_10 = arith.addi %iota3A, %add3A_9 : vector<16xi32>
    %and3A = arith.constant 7 : i32
    %and3A_11 = vector.broadcast %and3A : i32 to vector<16xi32>
    %and3A_12 = arith.andi %add3A_10, %and3A_11 : vector<16xi32>
    %shift_left3A = arith.constant 7 : i32
    %shift_left3A_13 = vector.broadcast %shift_left3A : i32 to vector<16xi32>
    %shift_left3A_14 = arith.shli %and3A_12, %shift_left3A_13 : vector<16xi32>
    %shift_right_arithmetic3A = arith.constant 3 : i32
    %shift_right_arithmetic3A_15 = vector.broadcast %shift_right_arithmetic3A : i32 to vector<16xi32>
    %shift_right_arithmetic3A_16 = arith.shrsi %add3A_10, %shift_right_arithmetic3A_15 : vector<16xi32>
    %shift_left3A_17 = arith.constant 2 : i32
    %shift_left3A_18 = vector.broadcast %shift_left3A_17 : i32 to vector<16xi32>
    %shift_left3A_19 = arith.shli %shift_right_arithmetic3A_16, %shift_left3A_18 : vector<16xi32>
    %or3A = arith.ori %shift_left3A_14, %shift_left3A_19 : vector<16xi32>
    %swap3A = arith.constant 0 : index
    %swap3A_20 = tpu.vector_load %arg9[%swap3A] {strides = array<i32>} : memref<32xi32, #tpu.memory_space<vmem>>, vector<16xi32>,
    tpu.vector_store %arg9[%swap3A], %or3A {strides = array<i32>} : memref<32xi32, #tpu.memory_space<vmem>>, vector<16xi32>,
    %and3A_21 = arith.constant 7 : i32
    %and3A_22 = vector.broadcast %and3A_21 : i32 to vector<16xi32>
    %and3A_23 = arith.andi %add3A_10, %and3A_22 : vector<16xi32>
    %shift_left3A_24 = arith.constant 4 : i32
    %shift_left3A_25 = vector.broadcast %shift_left3A_24 : i32 to vector<16xi32>
    %shift_left3A_26 = arith.shli %and3A_23, %shift_left3A_25 : vector<16xi32>
    %shift_right_arithmetic3A_27 = arith.constant 3 : i32
    %shift_right_arithmetic3A_28 = vector.broadcast %shift_right_arithmetic3A_27 : i32 to vector<16xi32>
    %shift_right_arithmetic3A_29 = arith.shrsi %add3A_10, %shift_right_arithmetic3A_28 : vector<16xi32>
    %or3A_30 = arith.ori %shift_left3A_26, %shift_right_arithmetic3A_29 : vector<16xi32>
    %swap3A_31 = arith.constant 0 : index
    %swap3A_32 = tpu.vector_load %arg10[%swap3A_31] {strides = array<i32>} : memref<32xi32, #tpu.memory_space<vmem>>, vector<16xi32>,
    tpu.vector_store %arg10[%swap3A_31], %or3A_30 {strides = array<i32>} : memref<32xi32, #tpu.memory_space<vmem>>, vector<16xi32>,
    %add3A_33 = arith.constant 16 : i32
    %add3A_34 = vector.broadcast %add3A_33 : i32 to vector<16xi32>
    %add3A_35 = arith.addi %iota3A, %add3A_34 : vector<16xi32>
    %and3A_36 = arith.constant 7 : i32
    %and3A_37 = vector.broadcast %and3A_36 : i32 to vector<16xi32>
    %and3A_38 = arith.andi %add3A_35, %and3A_37 : vector<16xi32>
    %shift_left3A_39 = arith.constant 7 : i32
    %shift_left3A_40 = vector.broadcast %shift_left3A_39 : i32 to vector<16xi32>
    %shift_left3A_41 = arith.shli %and3A_38, %shift_left3A_40 : vector<16xi32>
    %shift_right_arithmetic3A_42 = arith.constant 3 : i32
    %shift_right_arithmetic3A_43 = vector.broadcast %shift_right_arithmetic3A_42 : i32 to vector<16xi32>
    %shift_right_arithmetic3A_44 = arith.shrsi %add3A_35, %shift_right_arithmetic3A_43 : vector<16xi32>
    %shift_left3A_45 = arith.constant 2 : i32
    %shift_left3A_46 = vector.broadcast %shift_left3A_45 : i32 to vector<16xi32>
    %shift_left3A_47 = arith.shli %shift_right_arithmetic3A_44, %shift_left3A_46 : vector<16xi32>
    %or3A_48 = arith.ori %shift_left3A_41, %shift_left3A_47 : vector<16xi32>
    %swap3A_49 = arith.constant 16 : index
    %swap3A_50 = tpu.vector_load %arg9[%swap3A_49] {strides = array<i32>} : memref<32xi32, #tpu.memory_space<vmem>>, vector<16xi32>,
    tpu.vector_store %arg9[%swap3A_49], %or3A_48 {strides = array<i32>} : memref<32xi32, #tpu.memory_space<vmem>>, vector<16xi32>,
    %and3A_51 = arith.constant 7 : i32
    %and3A_52 = vector.broadcast %and3A_51 : i32 to vector<16xi32>
    %and3A_53 = arith.andi %add3A_35, %and3A_52 : vector<16xi32>
    %shift_left3A_54 = arith.constant 4 : i32
    %shift_left3A_55 = vector.broadcast %shift_left3A_54 : i32 to vector<16xi32>
    %shift_left3A_56 = arith.shli %and3A_53, %shift_left3A_55 : vector<16xi32>
    %shift_right_arithmetic3A_57 = arith.constant 3 : i32
    %shift_right_arithmetic3A_58 = vector.broadcast %shift_right_arithmetic3A_57 : i32 to vector<16xi32>
    %shift_right_arithmetic3A_59 = arith.shrsi %add3A_35, %shift_right_arithmetic3A_58 : vector<16xi32>
    %or3A_60 = arith.ori %shift_left3A_56, %shift_right_arithmetic3A_59 : vector<16xi32>
    %swap3A_61 = arith.constant 16 : index
    %swap3A_62 = tpu.vector_load %arg10[%swap3A_61] {strides = array<i32>} : memref<32xi32, #tpu.memory_space<vmem>>, vector<16xi32>,
    tpu.vector_store %arg10[%swap3A_61], %or3A_60 {strides = array<i32>} : memref<32xi32, #tpu.memory_space<vmem>>, vector<16xi32>,
    %swap3A_63 = arith.constant 0 : index
    %swap3A_64 = tpu.vector_load %arg7[%swap3A_63] {strides = array<i32>} : memref<1024xf32, #tpu.memory_space<vmem>>, vector<16xf32>,
    tpu.vector_store %arg7[%swap3A_63], %broadcast_in_dim3A_5 {strides = array<i32>} : memref<1024xf32, #tpu.memory_space<vmem>>, vector<16xf32>,
    %swap3A_65 = arith.constant 16 : index
    %swap3A_66 = tpu.vector_load %arg7[%swap3A_65] {strides = array<i32>} : memref<1024xf32, #tpu.memory_space<vmem>>, vector<16xf32>,
    tpu.vector_store %arg7[%swap3A_65], %broadcast_in_dim3A_5 {strides = array<i32>} : memref<1024xf32, #tpu.memory_space<vmem>>, vector<16xf32>,
    %swap3A_67 = arith.constant 32 : index
    %swap3A_68 = tpu.vector_load %arg7[%swap3A_67] {strides = array<i32>} : memref<1024xf32, #tpu.memory_space<vmem>>, vector<16xf32>,
    tpu.vector_store %arg7[%swap3A_67], %broadcast_in_dim3A_5 {strides = array<i32>} : memref<1024xf32, #tpu.memory_space<vmem>>, vector<16xf32>,
    %swap3A_69 = arith.constant 48 : index
    %swap3A_70 = tpu.vector_load %arg7[%swap3A_69] {strides = array<i32>} : memref<1024xf32, #tpu.memory_space<vmem>>, vector<16xf32>,
    tpu.vector_store %arg7[%swap3A_69], %broadcast_in_dim3A_5 {strides = array<i32>} : memref<1024xf32, #tpu.memory_space<vmem>>, vector<16xf32>,
    %swap3A_71 = arith.constant 64 : index
    %swap3A_72 = tpu.vector_load %arg7[%swap3A_71] {strides = array<i32>} : memref<1024xf32, #tpu.memory_space<vmem>>, vector<16xf32>,
    tpu.vector_store %arg7[%swap3A_71], %broadcast_in_dim3A_5 {strides = array<i32>} : memref<1024xf32, #tpu.memory_space<vmem>>, vector<16xf32>,
    %swap3A_73 = arith.constant 80 : index
    %swap3A_74 = tpu.vector_load %arg7[%swap3A_73] {strides = array<i32>} : memref<1024xf32, #tpu.memory_space<vmem>>, vector<16xf32>,
    tpu.vector_store %arg7[%swap3A_73], %broadcast_in_dim3A_5 {strides = array<i32>} : memref<1024xf32, #tpu.memory_space<vmem>>, vector<16xf32>,
    %swap3A_75 = arith.constant 96 : index
    %swap3A_76 = tpu.vector_load %arg7[%swap3A_75] {strides = array<i32>} : memref<1024xf32, #tpu.memory_space<vmem>>, vector<16xf32>,
    tpu.vector_store %arg7[%swap3A_75], %broadcast_in_dim3A_5 {strides = array<i32>} : memref<1024xf32, #tpu.memory_space<vmem>>, vector<16xf32>,
    %swap3A_77 = arith.constant 112 : index
    %swap3A_78 = tpu.vector_load %arg7[%swap3A_77] {strides = array<i32>} : memref<1024xf32, #tpu.memory_space<vmem>>, vector<16xf32>,
    tpu.vector_store %arg7[%swap3A_77], %broadcast_in_dim3A_5 {strides = array<i32>} : memref<1024xf32, #tpu.memory_space<vmem>>, vector<16xf32>,
    %swap3A_79 = arith.constant 128 : index
    %swap3A_80 = tpu.vector_load %arg7[%swap3A_79] {strides = array<i32>} : memref<1024xf32, #tpu.memory_space<vmem>>, vector<16xf32>,
    tpu.vector_store %arg7[%swap3A_79], %broadcast_in_dim3A_5 {strides = array<i32>} : memref<1024xf32, #tpu.memory_space<vmem>>, vector<16xf32>,
    %swap3A_81 = arith.constant 144 : index
    %swap3A_82 = tpu.vector_load %arg7[%swap3A_81] {strides = array<i32>} : memref<1024xf32, #tpu.memory_space<vmem>>, vector<16xf32>,
    tpu.vector_store %arg7[%swap3A_81], %broadcast_in_dim3A_5 {strides = array<i32>} : memref<1024xf32, #tpu.memory_space<vmem>>, vector<16xf32>,
    %swap3A_83 = arith.constant 160 : index
    %swap3A_84 = tpu.vector_load %arg7[%swap3A_83] {strides = array<i32>} : memref<1024xf32, #tpu.memory_space<vmem>>, vector<16xf32>,
    tpu.vector_store %arg7[%swap3A_83], %broadcast_in_dim3A_5 {strides = array<i32>} : memref<1024xf32, #tpu.memory_space<vmem>>, vector<16xf32>,
    %swap3A_85 = arith.constant 176 : index
    %swap3A_86 = tpu.vector_load %arg7[%swap3A_85] {strides = array<i32>} : memref<1024xf32, #tpu.memory_space<vmem>>, vector<16xf32>,
    tpu.vector_store %arg7[%swap3A_85], %broadcast_in_dim3A_5 {strides = array<i32>} : memref<1024xf32, #tpu.memory_space<vmem>>, vector<16xf32>,
    %swap3A_87 = arith.constant 192 : index
    %swap3A_88 = tpu.vector_load %arg7[%swap3A_87] {strides = array<i32>} : memref<1024xf32, #tpu.memory_space<vmem>>, vector<16xf32>,
    tpu.vector_store %arg7[%swap3A_87], %broadcast_in_dim3A_5 {strides = array<i32>} : memref<1024xf32, #tpu.memory_space<vmem>>, vector<16xf32>,
    %swap3A_89 = arith.constant 208 : index
    %swap3A_90 = tpu.vector_load %arg7[%swap3A_89] {strides = array<i32>} : memref<1024xf32, #tpu.memory_space<vmem>>, vector<16xf32>,
    tpu.vector_store %arg7[%swap3A_89], %broadcast_in_dim3A_5 {strides = array<i32>} : memref<1024xf32, #tpu.memory_space<vmem>>, vector<16xf32>,
    %swap3A_91 = arith.constant 224 : index
    %swap3A_92 = tpu.vector_load %arg7[%swap3A_91] {strides = array<i32>} : memref<1024xf32, #tpu.memory_space<vmem>>, vector<16xf32>,
    tpu.vector_store %arg7[%swap3A_91], %broadcast_in_dim3A_5 {strides = array<i32>} : memref<1024xf32, #tpu.memory_space<vmem>>, vector<16xf32>,
    %swap3A_93 = arith.constant 240 : index
    %swap3A_94 = tpu.vector_load %arg7[%swap3A_93] {strides = array<i32>} : memref<1024xf32, #tpu.memory_space<vmem>>, vector<16xf32>,
    tpu.vector_store %arg7[%swap3A_93], %broadcast_in_dim3A_5 {strides = array<i32>} : memref<1024xf32, #tpu.memory_space<vmem>>, vector<16xf32>,
    %swap3A_95 = arith.constant 256 : index
    %swap3A_96 = tpu.vector_load %arg7[%swap3A_95] {strides = array<i32>} : memref<1024xf32, #tpu.memory_space<vmem>>, vector<16xf32>,
    tpu.vector_store %arg7[%swap3A_95], %broadcast_in_dim3A_5 {strides = array<i32>} : memref<1024xf32, #tpu.memory_space<vmem>>, vector<16xf32>,
    %swap3A_97 = arith.constant 272 : index
    %swap3A_98 = tpu.vector_load %arg7[%swap3A_97] {strides = array<i32>} : memref<1024xf32, #tpu.memory_space<vmem>>, vector<16xf32>,
    tpu.vector_store %arg7[%swap3A_97], %broadcast_in_dim3A_5 {strides = array<i32>} : memref<1024xf32, #tpu.memory_space<vmem>>, vector<16xf32>,
    %swap3A_99 = arith.constant 288 : index
    %swap3A_100 = tpu.vector_load %arg7[%swap3A_99] {strides = array<i32>} : memref<1024xf32, #tpu.memory_space<vmem>>, vector<16xf32>,
    tpu.vector_store %arg7[%swap3A_99], %broadcast_in_dim3A_5 {strides = array<i32>} : memref<1024xf32, #tpu.memory_space<vmem>>, vector<16xf32>,
    %swap3A_101 = arith.constant 304 : index
    %swap3A_102 = tpu.vector_load %arg7[%swap3A_101] {strides = array<i32>} : memref<1024xf32, #tpu.memory_space<vmem>>, vector<16xf32>,
    tpu.vector_store %arg7[%swap3A_101], %broadcast_in_dim3A_5 {strides = array<i32>} : memref<1024xf32, #tpu.memory_space<vmem>>, vector<16xf32>,
    %swap3A_103 = arith.constant 320 : index
    %swap3A_104 = tpu.vector_load %arg7[%swap3A_103] {strides = array<i32>} : memref<1024xf32, #tpu.memory_space<vmem>>, vector<16xf32>,
    tpu.vector_store %arg7[%swap3A_103], %broadcast_in_dim3A_5 {strides = array<i32>} : memref<1024xf32, #tpu.memory_space<vmem>>, vector<16xf32>,
    %swap3A_105 = arith.constant 336 : index
    %swap3A_106 = tpu.vector_load %arg7[%swap3A_105] {strides = array<i32>} : memref<1024xf32, #tpu.memory_space<vmem>>, vector<16xf32>,
    tpu.vector_store %arg7[%swap3A_105], %broadcast_in_dim3A_5 {strides = array<i32>} : memref<1024xf32, #tpu.memory_space<vmem>>, vector<16xf32>,
    %swap3A_107 = arith.constant 352 : index
    %swap3A_108 = tpu.vector_load %arg7[%swap3A_107] {strides = array<i32>} : memref<1024xf32, #tpu.memory_space<vmem>>, vector<16xf32>,
    tpu.vector_store %arg7[%swap3A_107], %broadcast_in_dim3A_5 {strides = array<i32>} : memref<1024xf32, #tpu.memory_space<vmem>>, vector<16xf32>,
    %swap3A_109 = arith.constant 368 : index
    %swap3A_110 = tpu.vector_load %arg7[%swap3A_109] {strides = array<i32>} : memref<1024xf32, #tpu.memory_space<vmem>>, vector<16xf32>,
    tpu.vector_store %arg7[%swap3A_109], %broadcast_in_dim3A_5 {strides = array<i32>} : memref<1024xf32, #tpu.memory_space<vmem>>, vector<16xf32>,
    %swap3A_111 = arith.constant 384 : index
    %swap3A_112 = tpu.vector_load %arg7[%swap3A_111] {strides = array<i32>} : memref<1024xf32, #tpu.memory_space<vmem>>, vector<16xf32>,
    tpu.vector_store %arg7[%swap3A_111], %broadcast_in_dim3A_5 {strides = array<i32>} : memref<1024xf32, #tpu.memory_space<vmem>>, vector<16xf32>,
    %swap3A_113 = arith.constant 400 : index
    %swap3A_114 = tpu.vector_load %arg7[%swap3A_113] {strides = array<i32>} : memref<1024xf32, #tpu.memory_space<vmem>>, vector<16xf32>,
    tpu.vector_store %arg7[%swap3A_113], %broadcast_in_dim3A_5 {strides = array<i32>} : memref<1024xf32, #tpu.memory_space<vmem>>, vector<16xf32>,
    %swap3A_115 = arith.constant 416 : index
    %swap3A_116 = tpu.vector_load %arg7[%swap3A_115] {strides = array<i32>} : memref<1024xf32, #tpu.memory_space<vmem>>, vector<16xf32>,
    tpu.vector_store %arg7[%swap3A_115], %broadcast_in_dim3A_5 {strides = array<i32>} : memref<1024xf32, #tpu.memory_space<vmem>>, vector<16xf32>,
    %swap3A_117 = arith.constant 432 : index
    %swap3A_118 = tpu.vector_load %arg7[%swap3A_117] {strides = array<i32>} : memref<1024xf32, #tpu.memory_space<vmem>>, vector<16xf32>,
    tpu.vector_store %arg7[%swap3A_117], %broadcast_in_dim3A_5 {strides = array<i32>} : memref<1024xf32, #tpu.memory_space<vmem>>, vector<16xf32>,
    %swap3A_119 = arith.constant 448 : index
    %swap3A_120 = tpu.vector_load %arg7[%swap3A_119] {strides = array<i32>} : memref<1024xf32, #tpu.memory_space<vmem>>, vector<16xf32>,
    tpu.vector_store %arg7[%swap3A_119], %broadcast_in_dim3A_5 {strides = array<i32>} : memref<1024xf32, #tpu.memory_space<vmem>>, vector<16xf32>,
    %swap3A_121 = arith.constant 464 : index
    %swap3A_122 = tpu.vector_load %arg7[%swap3A_121] {strides = array<i32>} : memref<1024xf32, #tpu.memory_space<vmem>>, vector<16xf32>,
    tpu.vector_store %arg7[%swap3A_121], %broadcast_in_dim3A_5 {strides = array<i32>} : memref<1024xf32, #tpu.memory_space<vmem>>, vector<16xf32>,
    %swap3A_123 = arith.constant 480 : index
    %swap3A_124 = tpu.vector_load %arg7[%swap3A_123] {strides = array<i32>} : memref<1024xf32, #tpu.memory_space<vmem>>, vector<16xf32>,
    tpu.vector_store %arg7[%swap3A_123], %broadcast_in_dim3A_5 {strides = array<i32>} : memref<1024xf32, #tpu.memory_space<vmem>>, vector<16xf32>,
    %swap3A_125 = arith.constant 496 : index
    %swap3A_126 = tpu.vector_load %arg7[%swap3A_125] {strides = array<i32>} : memref<1024xf32, #tpu.memory_space<vmem>>, vector<16xf32>,
    tpu.vector_store %arg7[%swap3A_125], %broadcast_in_dim3A_5 {strides = array<i32>} : memref<1024xf32, #tpu.memory_space<vmem>>, vector<16xf32>,
    %swap3A_127 = arith.constant 512 : index
    %swap3A_128 = tpu.vector_load %arg7[%swap3A_127] {strides = array<i32>} : memref<1024xf32, #tpu.memory_space<vmem>>, vector<16xf32>,
    tpu.vector_store %arg7[%swap3A_127], %broadcast_in_dim3A_5 {strides = array<i32>} : memref<1024xf32, #tpu.memory_space<vmem>>, vector<16xf32>,
    %swap3A_129 = arith.constant 528 : index
    %swap3A_130 = tpu.vector_load %arg7[%swap3A_129] {strides = array<i32>} : memref<1024xf32, #tpu.memory_space<vmem>>, vector<16xf32>,
    tpu.vector_store %arg7[%swap3A_129], %broadcast_in_dim3A_5 {strides = array<i32>} : memref<1024xf32, #tpu.memory_space<vmem>>, vector<16xf32>,
    %swap3A_131 = arith.constant 544 : index
    %swap3A_132 = tpu.vector_load %arg7[%swap3A_131] {strides = array<i32>} : memref<1024xf32, #tpu.memory_space<vmem>>, vector<16xf32>,
    tpu.vector_store %arg7[%swap3A_131], %broadcast_in_dim3A_5 {strides = array<i32>} : memref<1024xf32, #tpu.memory_space<vmem>>, vector<16xf32>,
    %swap3A_133 = arith.constant 560 : index
    %swap3A_134 = tpu.vector_load %arg7[%swap3A_133] {strides = array<i32>} : memref<1024xf32, #tpu.memory_space<vmem>>, vector<16xf32>,
    tpu.vector_store %arg7[%swap3A_133], %broadcast_in_dim3A_5 {strides = array<i32>} : memref<1024xf32, #tpu.memory_space<vmem>>, vector<16xf32>,
    %swap3A_135 = arith.constant 576 : index
    %swap3A_136 = tpu.vector_load %arg7[%swap3A_135] {strides = array<i32>} : memref<1024xf32, #tpu.memory_space<vmem>>, vector<16xf32>,
    tpu.vector_store %arg7[%swap3A_135], %broadcast_in_dim3A_5 {strides = array<i32>} : memref<1024xf32, #tpu.memory_space<vmem>>, vector<16xf32>,
    %swap3A_137 = arith.constant 592 : index
    %swap3A_138 = tpu.vector_load %arg7[%swap3A_137] {strides = array<i32>} : memref<1024xf32, #tpu.memory_space<vmem>>, vector<16xf32>,
    tpu.vector_store %arg7[%swap3A_137], %broadcast_in_dim3A_5 {strides = array<i32>} : memref<1024xf32, #tpu.memory_space<vmem>>, vector<16xf32>,
    %swap3A_139 = arith.constant 608 : index
    %swap3A_140 = tpu.vector_load %arg7[%swap3A_139] {strides = array<i32>} : memref<1024xf32, #tpu.memory_space<vmem>>, vector<16xf32>,
    tpu.vector_store %arg7[%swap3A_139], %broadcast_in_dim3A_5 {strides = array<i32>} : memref<1024xf32, #tpu.memory_space<vmem>>, vector<16xf32>,
    %swap3A_141 = arith.constant 624 : index
    %swap3A_142 = tpu.vector_load %arg7[%swap3A_141] {strides = array<i32>} : memref<1024xf32, #tpu.memory_space<vmem>>, vector<16xf32>,
    tpu.vector_store %arg7[%swap3A_141], %broadcast_in_dim3A_5 {strides = array<i32>} : memref<1024xf32, #tpu.memory_space<vmem>>, vector<16xf32>,
    %swap3A_143 = arith.constant 640 : index
    %swap3A_144 = tpu.vector_load %arg7[%swap3A_143] {strides = array<i32>} : memref<1024xf32, #tpu.memory_space<vmem>>, vector<16xf32>,
    tpu.vector_store %arg7[%swap3A_143], %broadcast_in_dim3A_5 {strides = array<i32>} : memref<1024xf32, #tpu.memory_space<vmem>>, vector<16xf32>,
    %swap3A_145 = arith.constant 656 : index
    %swap3A_146 = tpu.vector_load %arg7[%swap3A_145] {strides = array<i32>} : memref<1024xf32, #tpu.memory_space<vmem>>, vector<16xf32>,
    tpu.vector_store %arg7[%swap3A_145], %broadcast_in_dim3A_5 {strides = array<i32>} : memref<1024xf32, #tpu.memory_space<vmem>>, vector<16xf32>,
    %swap3A_147 = arith.constant 672 : index
    %swap3A_148 = tpu.vector_load %arg7[%swap3A_147] {strides = array<i32>} : memref<1024xf32, #tpu.memory_space<vmem>>, vector<16xf32>,
    tpu.vector_store %arg7[%swap3A_147], %broadcast_in_dim3A_5 {strides = array<i32>} : memref<1024xf32, #tpu.memory_space<vmem>>, vector<16xf32>,
    %swap3A_149 = arith.constant 688 : index
    %swap3A_150 = tpu.vector_load %arg7[%swap3A_149] {strides = array<i32>} : memref<1024xf32, #tpu.memory_space<vmem>>, vector<16xf32>,
    tpu.vector_store %arg7[%swap3A_149], %broadcast_in_dim3A_5 {strides = array<i32>} : memref<1024xf32, #tpu.memory_space<vmem>>, vector<16xf32>,
    %swap3A_151 = arith.constant 704 : index
    %swap3A_152 = tpu.vector_load %arg7[%swap3A_151] {strides = array<i32>} : memref<1024xf32, #tpu.memory_space<vmem>>, vector<16xf32>,
    tpu.vector_store %arg7[%swap3A_151], %broadcast_in_dim3A_5 {strides = array<i32>} : memref<1024xf32, #tpu.memory_space<vmem>>, vector<16xf32>,
    %swap3A_153 = arith.constant 720 : index
    %swap3A_154 = tpu.vector_load %arg7[%swap3A_153] {strides = array<i32>} : memref<1024xf32, #tpu.memory_space<vmem>>, vector<16xf32>,
    tpu.vector_store %arg7[%swap3A_153], %broadcast_in_dim3A_5 {strides = array<i32>} : memref<1024xf32, #tpu.memory_space<vmem>>, vector<16xf32>,
    %swap3A_155 = arith.constant 736 : index
    %swap3A_156 = tpu.vector_load %arg7[%swap3A_155] {strides = array<i32>} : memref<1024xf32, #tpu.memory_space<vmem>>, vector<16xf32>,
    tpu.vector_store %arg7[%swap3A_155], %broadcast_in_dim3A_5 {strides = array<i32>} : memref<1024xf32, #tpu.memory_space<vmem>>, vector<16xf32>,
    %swap3A_157 = arith.constant 752 : index
    %swap3A_158 = tpu.vector_load %arg7[%swap3A_157] {strides = array<i32>} : memref<1024xf32, #tpu.memory_space<vmem>>, vector<16xf32>,
    tpu.vector_store %arg7[%swap3A_157], %broadcast_in_dim3A_5 {strides = array<i32>} : memref<1024xf32, #tpu.memory_space<vmem>>, vector<16xf32>,
    %swap3A_159 = arith.constant 768 : index
    %swap3A_160 = tpu.vector_load %arg7[%swap3A_159] {strides = array<i32>} : memref<1024xf32, #tpu.memory_space<vmem>>, vector<16xf32>,
    tpu.vector_store %arg7[%swap3A_159], %broadcast_in_dim3A_5 {strides = array<i32>} : memref<1024xf32, #tpu.memory_space<vmem>>, vector<16xf32>,
    %swap3A_161 = arith.constant 784 : index
    %swap3A_162 = tpu.vector_load %arg7[%swap3A_161] {strides = array<i32>} : memref<1024xf32, #tpu.memory_space<vmem>>, vector<16xf32>,
    tpu.vector_store %arg7[%swap3A_161], %broadcast_in_dim3A_5 {strides = array<i32>} : memref<1024xf32, #tpu.memory_space<vmem>>, vector<16xf32>,
    %swap3A_163 = arith.constant 800 : index
    %swap3A_164 = tpu.vector_load %arg7[%swap3A_163] {strides = array<i32>} : memref<1024xf32, #tpu.memory_space<vmem>>, vector<16xf32>,
    tpu.vector_store %arg7[%swap3A_163], %broadcast_in_dim3A_5 {strides = array<i32>} : memref<1024xf32, #tpu.memory_space<vmem>>, vector<16xf32>,
    %swap3A_165 = arith.constant 816 : index
    %swap3A_166 = tpu.vector_load %arg7[%swap3A_165] {strides = array<i32>} : memref<1024xf32, #tpu.memory_space<vmem>>, vector<16xf32>,
    tpu.vector_store %arg7[%swap3A_165], %broadcast_in_dim3A_5 {strides = array<i32>} : memref<1024xf32, #tpu.memory_space<vmem>>, vector<16xf32>,
    %swap3A_167 = arith.constant 832 : index
    %swap3A_168 = tpu.vector_load %arg7[%swap3A_167] {strides = array<i32>} : memref<1024xf32, #tpu.memory_space<vmem>>, vector<16xf32>,
    tpu.vector_store %arg7[%swap3A_167], %broadcast_in_dim3A_5 {strides = array<i32>} : memref<1024xf32, #tpu.memory_space<vmem>>, vector<16xf32>,
    %swap3A_169 = arith.constant 848 : index
    %swap3A_170 = tpu.vector_load %arg7[%swap3A_169] {strides = array<i32>} : memref<1024xf32, #tpu.memory_space<vmem>>, vector<16xf32>,
    tpu.vector_store %arg7[%swap3A_169], %broadcast_in_dim3A_5 {strides = array<i32>} : memref<1024xf32, #tpu.memory_space<vmem>>, vector<16xf32>,
    %swap3A_171 = arith.constant 864 : index
    %swap3A_172 = tpu.vector_load %arg7[%swap3A_171] {strides = array<i32>} : memref<1024xf32, #tpu.memory_space<vmem>>, vector<16xf32>,
    tpu.vector_store %arg7[%swap3A_171], %broadcast_in_dim3A_5 {strides = array<i32>} : memref<1024xf32, #tpu.memory_space<vmem>>, vector<16xf32>,
    %swap3A_173 = arith.constant 880 : index
    %swap3A_174 = tpu.vector_load %arg7[%swap3A_173] {strides = array<i32>} : memref<1024xf32, #tpu.memory_space<vmem>>, vector<16xf32>,
    tpu.vector_store %arg7[%swap3A_173], %broadcast_in_dim3A_5 {strides = array<i32>} : memref<1024xf32, #tpu.memory_space<vmem>>, vector<16xf32>,
    %swap3A_175 = arith.constant 896 : index
    %swap3A_176 = tpu.vector_load %arg7[%swap3A_175] {strides = array<i32>} : memref<1024xf32, #tpu.memory_space<vmem>>, vector<16xf32>,
    tpu.vector_store %arg7[%swap3A_175], %broadcast_in_dim3A_5 {strides = array<i32>} : memref<1024xf32, #tpu.memory_space<vmem>>, vector<16xf32>,
    %swap3A_177 = arith.constant 912 : index
    %swap3A_178 = tpu.vector_load %arg7[%swap3A_177] {strides = array<i32>} : memref<1024xf32, #tpu.memory_space<vmem>>, vector<16xf32>,
    tpu.vector_store %arg7[%swap3A_177], %broadcast_in_dim3A_5 {strides = array<i32>} : memref<1024xf32, #tpu.memory_space<vmem>>, vector<16xf32>,
    %swap3A_179 = arith.constant 928 : index
    %swap3A_180 = tpu.vector_load %arg7[%swap3A_179] {strides = array<i32>} : memref<1024xf32, #tpu.memory_space<vmem>>, vector<16xf32>,
    tpu.vector_store %arg7[%swap3A_179], %broadcast_in_dim3A_5 {strides = array<i32>} : memref<1024xf32, #tpu.memory_space<vmem>>, vector<16xf32>,
    %swap3A_181 = arith.constant 944 : index
    %swap3A_182 = tpu.vector_load %arg7[%swap3A_181] {strides = array<i32>} : memref<1024xf32, #tpu.memory_space<vmem>>, vector<16xf32>,
    tpu.vector_store %arg7[%swap3A_181], %broadcast_in_dim3A_5 {strides = array<i32>} : memref<1024xf32, #tpu.memory_space<vmem>>, vector<16xf32>,
    %swap3A_183 = arith.constant 960 : index
    %swap3A_184 = tpu.vector_load %arg7[%swap3A_183] {strides = array<i32>} : memref<1024xf32, #tpu.memory_space<vmem>>, vector<16xf32>,
    tpu.vector_store %arg7[%swap3A_183], %broadcast_in_dim3A_5 {strides = array<i32>} : memref<1024xf32, #tpu.memory_space<vmem>>, vector<16xf32>,
    %swap3A_185 = arith.constant 976 : index
    %swap3A_186 = tpu.vector_load %arg7[%swap3A_185] {strides = array<i32>} : memref<1024xf32, #tpu.memory_space<vmem>>, vector<16xf32>,
    tpu.vector_store %arg7[%swap3A_185], %broadcast_in_dim3A_5 {strides = array<i32>} : memref<1024xf32, #tpu.memory_space<vmem>>, vector<16xf32>,
    %swap3A_187 = arith.constant 992 : index
    %swap3A_188 = tpu.vector_load %arg7[%swap3A_187] {strides = array<i32>} : memref<1024xf32, #tpu.memory_space<vmem>>, vector<16xf32>,
    tpu.vector_store %arg7[%swap3A_187], %broadcast_in_dim3A_5 {strides = array<i32>} : memref<1024xf32, #tpu.memory_space<vmem>>, vector<16xf32>,
    %swap3A_189 = arith.constant 1008 : index
    %swap3A_190 = tpu.vector_load %arg7[%swap3A_189] {strides = array<i32>} : memref<1024xf32, #tpu.memory_space<vmem>>, vector<16xf32>,
    tpu.vector_store %arg7[%swap3A_189], %broadcast_in_dim3A_5 {strides = array<i32>} : memref<1024xf32, #tpu.memory_space<vmem>>, vector<16xf32>,
    %scan3A = arith.constant 0 : i32
    %scan3A_191 = arith.constant 64 : i32
    %scan3A_192 = arith.addi %scan3A, %scan3A_191 : i32
    %scan3A_193 = arith.constant 1 : i32
    scf.for %scan3A_195 = %scan3A to %scan3A_192 step %scan3A_193  : i32 {
      %add3A_196 = arith.addi %mul3A_2, %scan3A_195 : i32
      %broadcast_in_dim3A_197 = vector.broadcast %add3A_196 : i32 to vector<16xi32>
      %gather3A = tpu.vector_load_idx %arg5[%broadcast_in_dim3A_197] : memref<2048xf32, #tpu.memory_space<vmem>>[vector<16xi32>], vector<16xf32>,
      %gather3A_198 = tpu.vector_load_idx %arg6[%broadcast_in_dim3A_197] : memref<2048xf32, #tpu.memory_space<vmem>>[vector<16xi32>], vector<16xf32>,
      %broadcast_in_dim3A_199 = arith.constant 1.000000e+09 : f32
      %broadcast_in_dim3A_200 = vector.broadcast %broadcast_in_dim3A_199 : f32 to vector<16xf32>
      tpu.vector_store_idx %arg5[%broadcast_in_dim3A_197], %broadcast_in_dim3A_200 : memref<2048xf32, #tpu.memory_space<vmem>>[vector<16xi32>], vector<16xf32>,
      %parallel_loop3A_201 = arith.constant 0 : i32
      %parallel_loop3A_202 = arith.constant 2048 : i32
      %parallel_loop3A_203 = arith.constant 16 : i32
      scf.for %parallel_loop3A_219 = %parallel_loop3A_201 to %parallel_loop3A_202 step %parallel_loop3A_203  : i32 {
        %parallel_loop3A_220 = arith.index_cast %parallel_loop3A_219 : i32 to index
        %parallel_loop3A_221 = tpu.vector_load %arg5[%parallel_loop3A_220] {strides = array<i32>} : memref<2048xf32, #tpu.memory_space<vmem>>, vector<16xf32>,
        %parallel_loop3A_222 = arith.subf %parallel_loop3A_221, %gather3A : vector<16xf32>
        %parallel_loop3A_223 = arith.index_cast %parallel_loop3A_219 : i32 to index
        %parallel_loop3A_224 = tpu.vector_load %arg6[%parallel_loop3A_223] {strides = array<i32>} : memref<2048xf32, #tpu.memory_space<vmem>>, vector<16xf32>,
        %parallel_loop3A_225 = arith.subf %parallel_loop3A_224, %gather3A_198 : vector<16xf32>
        %parallel_loop3A_226 = arith.constant 1.600000e+01 : f32
        %parallel_loop3A_227 = vector.broadcast %parallel_loop3A_226 : f32 to vector<16xf32>
        %parallel_loop3A_228 = arith.addf %parallel_loop3A_222, %parallel_loop3A_227 : vector<16xf32>
        %parallel_loop3A_229 = arith.constant 1.600000e+01 : f32
        %parallel_loop3A_230 = vector.broadcast %parallel_loop3A_229 : f32 to vector<16xf32>
        %parallel_loop3A_231 = arith.addf %parallel_loop3A_225, %parallel_loop3A_230 : vector<16xf32>
        %parallel_loop3A_232 = arith.fptosi %parallel_loop3A_228 : vector<16xf32> to vector<16xi32>
        %parallel_loop3A_233 = arith.fptosi %parallel_loop3A_231 : vector<16xf32> to vector<16xi32>
        %parallel_loop3A_234 = tpu.bitcast %parallel_loop3A_232 : vector<16xi32> -> vector<16xi32>
        %parallel_loop3A_235 = tpu.bitcast %parallel_loop3A_233 : vector<16xi32> -> vector<16xi32>
        %parallel_loop3A_236 = arith.ori %parallel_loop3A_234, %parallel_loop3A_235 : vector<16xi32>
        %parallel_loop3A_237 = arith.constant 32 : i32
        %parallel_loop3A_238 = vector.broadcast %parallel_loop3A_237 : i32 to vector<16xi32>
        %parallel_loop3A_239 = arith.cmpi ult, %parallel_loop3A_236, %parallel_loop3A_238 : vector<16xi32>
        %parallel_loop3A_240 = arith.minimumf %parallel_loop3A_222, %parallel_loop3A_225 : vector<16xf32>
        %parallel_loop3A_241 = arith.constant -1.600000e+01 : f32
        %parallel_loop3A_242 = vector.broadcast %parallel_loop3A_241 : f32 to vector<16xf32>
        %parallel_loop3A_243 = arith.cmpf oge, %parallel_loop3A_240, %parallel_loop3A_242 : vector<16xf32>
        %parallel_loop3A_244 = arith.andi %parallel_loop3A_243, %parallel_loop3A_239 : vector<16xi1>
        %parallel_loop3A_245 = tpu.vector_load_idx %arg9[%parallel_loop3A_232] masked %parallel_loop3A_244 : memref<32xi32, #tpu.memory_space<vmem>>[vector<16xi32>], vector<16xi32>, vector<16xi1>
        %parallel_loop3A_246 = tpu.vector_load_idx %arg10[%parallel_loop3A_233] masked %parallel_loop3A_244 : memref<32xi32, #tpu.memory_space<vmem>>[vector<16xi32>], vector<16xi32>, vector<16xi1>
        %parallel_loop3A_247 = arith.addi %parallel_loop3A_245, %parallel_loop3A_246 : vector<16xi32>
        tpu.vector_store_idx %arg7[%parallel_loop3A_247], %broadcast_in_dim3A_3 masked %parallel_loop3A_244 : memref<1024xf32, #tpu.memory_space<vmem>>[vector<16xi32>], vector<16xf32>, vector<16xi1>
      } {sc.loop_unroll_factor = 8 : i64, sc.parallel_access}
      tpu.vector_store_idx %arg5[%broadcast_in_dim3A_197], %gather3A : memref<2048xf32, #tpu.memory_space<vmem>>[vector<16xi32>], vector<16xf32>,
      %parallel_loop3A_204 = arith.constant 0 : i32
      %parallel_loop3A_205 = arith.constant 64 : i32
      %parallel_loop3A_206 = arith.constant 8 : i32
      %parallel_loop3A_207:8 = scf.for %parallel_loop3A_219 = %parallel_loop3A_204 to %parallel_loop3A_205 step %parallel_loop3A_206 iter_args(%parallel_loop3A_220 = %broadcast_in_dim3A_5, %parallel_loop3A_221 = %broadcast_in_dim3A_5, %parallel_loop3A_222 = %broadcast_in_dim3A_5, %parallel_loop3A_223 = %broadcast_in_dim3A_5, %parallel_loop3A_224 = %broadcast_in_dim3A_5, %parallel_loop3A_225 = %broadcast_in_dim3A_5, %parallel_loop3A_226 = %broadcast_in_dim3A_5, %parallel_loop3A_227 = %broadcast_in_dim3A_5) -> (vector<16xf32>, vector<16xf32>, vector<16xf32>, vector<16xf32>, vector<16xf32>, vector<16xf32>, vector<16xf32>, vector<16xf32>)  : i32 {
        %parallel_loop3A_228 = arith.constant 0 : i32
        %parallel_loop3A_229 = arith.addi %parallel_loop3A_219, %parallel_loop3A_228 : i32
        %parallel_loop3A_230 = arith.constant 16 : i32
        %parallel_loop3A_231 = arith.muli %parallel_loop3A_229, %parallel_loop3A_230 : i32
        %parallel_loop3A_232 = arith.index_cast %parallel_loop3A_231 : i32 to index
        %parallel_loop3A_233 = tpu.vector_load %arg7[%parallel_loop3A_232] {strides = array<i32>} : memref<1024xf32, #tpu.memory_space<vmem>>, vector<16xf32>,
        %parallel_loop3A_234 = arith.constant 0 : i32
        %parallel_loop3A_235 = arith.addi %parallel_loop3A_219, %parallel_loop3A_234 : i32
        %parallel_loop3A_236 = arith.constant 16 : i32
        %parallel_loop3A_237 = arith.muli %parallel_loop3A_235, %parallel_loop3A_236 : i32
        %parallel_loop3A_238 = arith.index_cast %parallel_loop3A_237 : i32 to index
        %parallel_loop3A_239 = tpu.vector_load %arg7[%parallel_loop3A_238] {strides = array<i32>} : memref<1024xf32, #tpu.memory_space<vmem>>, vector<16xf32>,
        tpu.vector_store %arg7[%parallel_loop3A_238], %broadcast_in_dim3A_5 {strides = array<i32>} : memref<1024xf32, #tpu.memory_space<vmem>>, vector<16xf32>,
        %parallel_loop3A_240 = arith.addf %parallel_loop3A_220, %parallel_loop3A_233 : vector<16xf32>
        %parallel_loop3A_241 = arith.constant 1 : i32
        %parallel_loop3A_242 = arith.addi %parallel_loop3A_219, %parallel_loop3A_241 : i32
        %parallel_loop3A_243 = arith.constant 16 : i32
        %parallel_loop3A_244 = arith.muli %parallel_loop3A_242, %parallel_loop3A_243 : i32
        %parallel_loop3A_245 = arith.index_cast %parallel_loop3A_244 : i32 to index
        %parallel_loop3A_246 = tpu.vector_load %arg7[%parallel_loop3A_245] {strides = array<i32>} : memref<1024xf32, #tpu.memory_space<vmem>>, vector<16xf32>,
        %parallel_loop3A_247 = arith.constant 1 : i32
        %parallel_loop3A_248 = arith.addi %parallel_loop3A_219, %parallel_loop3A_247 : i32
        %parallel_loop3A_249 = arith.constant 16 : i32
        %parallel_loop3A_250 = arith.muli %parallel_loop3A_248, %parallel_loop3A_249 : i32
        %parallel_loop3A_251 = arith.index_cast %parallel_loop3A_250 : i32 to index
        %parallel_loop3A_252 = tpu.vector_load %arg7[%parallel_loop3A_251] {strides = array<i32>} : memref<1024xf32, #tpu.memory_space<vmem>>, vector<16xf32>,
        tpu.vector_store %arg7[%parallel_loop3A_251], %broadcast_in_dim3A_5 {strides = array<i32>} : memref<1024xf32, #tpu.memory_space<vmem>>, vector<16xf32>,
        %parallel_loop3A_253 = arith.addf %parallel_loop3A_221, %parallel_loop3A_246 : vector<16xf32>
        %parallel_loop3A_254 = arith.constant 2 : i32
        %parallel_loop3A_255 = arith.addi %parallel_loop3A_219, %parallel_loop3A_254 : i32
        %parallel_loop3A_256 = arith.constant 16 : i32
        %parallel_loop3A_257 = arith.muli %parallel_loop3A_255, %parallel_loop3A_256 : i32
        %parallel_loop3A_258 = arith.index_cast %parallel_loop3A_257 : i32 to index
        %parallel_loop3A_259 = tpu.vector_load %arg7[%parallel_loop3A_258] {strides = array<i32>} : memref<1024xf32, #tpu.memory_space<vmem>>, vector<16xf32>,
        %parallel_loop3A_260 = arith.constant 2 : i32
        %parallel_loop3A_261 = arith.addi %parallel_loop3A_219, %parallel_loop3A_260 : i32
        %parallel_loop3A_262 = arith.constant 16 : i32
        %parallel_loop3A_263 = arith.muli %parallel_loop3A_261, %parallel_loop3A_262 : i32
        %parallel_loop3A_264 = arith.index_cast %parallel_loop3A_263 : i32 to index
        %parallel_loop3A_265 = tpu.vector_load %arg7[%parallel_loop3A_264] {strides = array<i32>} : memref<1024xf32, #tpu.memory_space<vmem>>, vector<16xf32>,
        tpu.vector_store %arg7[%parallel_loop3A_264], %broadcast_in_dim3A_5 {strides = array<i32>} : memref<1024xf32, #tpu.memory_space<vmem>>, vector<16xf32>,
        %parallel_loop3A_266 = arith.addf %parallel_loop3A_222, %parallel_loop3A_259 : vector<16xf32>
        %parallel_loop3A_267 = arith.constant 3 : i32
        %parallel_loop3A_268 = arith.addi %parallel_loop3A_219, %parallel_loop3A_267 : i32
        %parallel_loop3A_269 = arith.constant 16 : i32
        %parallel_loop3A_270 = arith.muli %parallel_loop3A_268, %parallel_loop3A_269 : i32
        %parallel_loop3A_271 = arith.index_cast %parallel_loop3A_270 : i32 to index
        %parallel_loop3A_272 = tpu.vector_load %arg7[%parallel_loop3A_271] {strides = array<i32>} : memref<1024xf32, #tpu.memory_space<vmem>>, vector<16xf32>,
        %parallel_loop3A_273 = arith.constant 3 : i32
        %parallel_loop3A_274 = arith.addi %parallel_loop3A_219, %parallel_loop3A_273 : i32
        %parallel_loop3A_275 = arith.constant 16 : i32
        %parallel_loop3A_276 = arith.muli %parallel_loop3A_274, %parallel_loop3A_275 : i32
        %parallel_loop3A_277 = arith.index_cast %parallel_loop3A_276 : i32 to index
        %parallel_loop3A_278 = tpu.vector_load %arg7[%parallel_loop3A_277] {strides = array<i32>} : memref<1024xf32, #tpu.memory_space<vmem>>, vector<16xf32>,
        tpu.vector_store %arg7[%parallel_loop3A_277], %broadcast_in_dim3A_5 {strides = array<i32>} : memref<1024xf32, #tpu.memory_space<vmem>>, vector<16xf32>,
        %parallel_loop3A_279 = arith.addf %parallel_loop3A_223, %parallel_loop3A_272 : vector<16xf32>
        %parallel_loop3A_280 = arith.constant 4 : i32
        %parallel_loop3A_281 = arith.addi %parallel_loop3A_219, %parallel_loop3A_280 : i32
        %parallel_loop3A_282 = arith.constant 16 : i32
        %parallel_loop3A_283 = arith.muli %parallel_loop3A_281, %parallel_loop3A_282 : i32
        %parallel_loop3A_284 = arith.index_cast %parallel_loop3A_283 : i32 to index
        %parallel_loop3A_285 = tpu.vector_load %arg7[%parallel_loop3A_284] {strides = array<i32>} : memref<1024xf32, #tpu.memory_space<vmem>>, vector<16xf32>,
        %parallel_loop3A_286 = arith.constant 4 : i32
        %parallel_loop3A_287 = arith.addi %parallel_loop3A_219, %parallel_loop3A_286 : i32
        %parallel_loop3A_288 = arith.constant 16 : i32
        %parallel_loop3A_289 = arith.muli %parallel_loop3A_287, %parallel_loop3A_288 : i32
        %parallel_loop3A_290 = arith.index_cast %parallel_loop3A_289 : i32 to index
        %parallel_loop3A_291 = tpu.vector_load %arg7[%parallel_loop3A_290] {strides = array<i32>} : memref<1024xf32, #tpu.memory_space<vmem>>, vector<16xf32>,
        tpu.vector_store %arg7[%parallel_loop3A_290], %broadcast_in_dim3A_5 {strides = array<i32>} : memref<1024xf32, #tpu.memory_space<vmem>>, vector<16xf32>,
        %parallel_loop3A_292 = arith.addf %parallel_loop3A_224, %parallel_loop3A_285 : vector<16xf32>
        %parallel_loop3A_293 = arith.constant 5 : i32
        %parallel_loop3A_294 = arith.addi %parallel_loop3A_219, %parallel_loop3A_293 : i32
        %parallel_loop3A_295 = arith.constant 16 : i32
        %parallel_loop3A_296 = arith.muli %parallel_loop3A_294, %parallel_loop3A_295 : i32
        %parallel_loop3A_297 = arith.index_cast %parallel_loop3A_296 : i32 to index
        %parallel_loop3A_298 = tpu.vector_load %arg7[%parallel_loop3A_297] {strides = array<i32>} : memref<1024xf32, #tpu.memory_space<vmem>>, vector<16xf32>,
        %parallel_loop3A_299 = arith.constant 5 : i32
        %parallel_loop3A_300 = arith.addi %parallel_loop3A_219, %parallel_loop3A_299 : i32
        %parallel_loop3A_301 = arith.constant 16 : i32
        %parallel_loop3A_302 = arith.muli %parallel_loop3A_300, %parallel_loop3A_301 : i32
        %parallel_loop3A_303 = arith.index_cast %parallel_loop3A_302 : i32 to index
        %parallel_loop3A_304 = tpu.vector_load %arg7[%parallel_loop3A_303] {strides = array<i32>} : memref<1024xf32, #tpu.memory_space<vmem>>, vector<16xf32>,
        tpu.vector_store %arg7[%parallel_loop3A_303], %broadcast_in_dim3A_5 {strides = array<i32>} : memref<1024xf32, #tpu.memory_space<vmem>>, vector<16xf32>,
        %parallel_loop3A_305 = arith.addf %parallel_loop3A_225, %parallel_loop3A_298 : vector<16xf32>
        %parallel_loop3A_306 = arith.constant 6 : i32
        %parallel_loop3A_307 = arith.addi %parallel_loop3A_219, %parallel_loop3A_306 : i32
        %parallel_loop3A_308 = arith.constant 16 : i32
        %parallel_loop3A_309 = arith.muli %parallel_loop3A_307, %parallel_loop3A_308 : i32
        %parallel_loop3A_310 = arith.index_cast %parallel_loop3A_309 : i32 to index
        %parallel_loop3A_311 = tpu.vector_load %arg7[%parallel_loop3A_310] {strides = array<i32>} : memref<1024xf32, #tpu.memory_space<vmem>>, vector<16xf32>,
        %parallel_loop3A_312 = arith.constant 6 : i32
        %parallel_loop3A_313 = arith.addi %parallel_loop3A_219, %parallel_loop3A_312 : i32
        %parallel_loop3A_314 = arith.constant 16 : i32
        %parallel_loop3A_315 = arith.muli %parallel_loop3A_313, %parallel_loop3A_314 : i32
        %parallel_loop3A_316 = arith.index_cast %parallel_loop3A_315 : i32 to index
        %parallel_loop3A_317 = tpu.vector_load %arg7[%parallel_loop3A_316] {strides = array<i32>} : memref<1024xf32, #tpu.memory_space<vmem>>, vector<16xf32>,
        tpu.vector_store %arg7[%parallel_loop3A_316], %broadcast_in_dim3A_5 {strides = array<i32>} : memref<1024xf32, #tpu.memory_space<vmem>>, vector<16xf32>,
        %parallel_loop3A_318 = arith.addf %parallel_loop3A_226, %parallel_loop3A_311 : vector<16xf32>
        %parallel_loop3A_319 = arith.constant 7 : i32
        %parallel_loop3A_320 = arith.addi %parallel_loop3A_219, %parallel_loop3A_319 : i32
        %parallel_loop3A_321 = arith.constant 16 : i32
        %parallel_loop3A_322 = arith.muli %parallel_loop3A_320, %parallel_loop3A_321 : i32
        %parallel_loop3A_323 = arith.index_cast %parallel_loop3A_322 : i32 to index
        %parallel_loop3A_324 = tpu.vector_load %arg7[%parallel_loop3A_323] {strides = array<i32>} : memref<1024xf32, #tpu.memory_space<vmem>>, vector<16xf32>,
        %parallel_loop3A_325 = arith.constant 7 : i32
        %parallel_loop3A_326 = arith.addi %parallel_loop3A_219, %parallel_loop3A_325 : i32
        %parallel_loop3A_327 = arith.constant 16 : i32
        %parallel_loop3A_328 = arith.muli %parallel_loop3A_326, %parallel_loop3A_327 : i32
        %parallel_loop3A_329 = arith.index_cast %parallel_loop3A_328 : i32 to index
        %parallel_loop3A_330 = tpu.vector_load %arg7[%parallel_loop3A_329] {strides = array<i32>} : memref<1024xf32, #tpu.memory_space<vmem>>, vector<16xf32>,
        tpu.vector_store %arg7[%parallel_loop3A_329], %broadcast_in_dim3A_5 {strides = array<i32>} : memref<1024xf32, #tpu.memory_space<vmem>>, vector<16xf32>,
        %parallel_loop3A_331 = arith.addf %parallel_loop3A_227, %parallel_loop3A_324 : vector<16xf32>
        scf.yield %parallel_loop3A_240, %parallel_loop3A_253, %parallel_loop3A_266, %parallel_loop3A_279, %parallel_loop3A_292, %parallel_loop3A_305, %parallel_loop3A_318, %parallel_loop3A_331 : vector<16xf32>, vector<16xf32>, vector<16xf32>, vector<16xf32>, vector<16xf32>, vector<16xf32>, vector<16xf32>, vector<16xf32>
      } {sc.loop_unroll_factor = 2 : i64, sc.parallel_access}
      %add3A_208 = arith.addf %parallel_loop3A_207#0, %parallel_loop3A_207#1 : vector<16xf32>
      %add3A_209 = arith.addf %parallel_loop3A_207#2, %parallel_loop3A_207#3 : vector<16xf32>
      %add3A_210 = arith.addf %parallel_loop3A_207#4, %parallel_loop3A_207#5 : vector<16xf32>
      %add3A_211 = arith.addf %parallel_loop3A_207#6, %parallel_loop3A_207#7 : vector<16xf32>
      %add3A_212 = arith.addf %add3A_208, %add3A_209 : vector<16xf32>
      %add3A_213 = arith.addf %add3A_210, %add3A_211 : vector<16xf32>
      %add3A_214 = arith.addf %add3A_212, %add3A_213 : vector<16xf32>
      %mul3A_215 = arith.constant 16 : i32
      %mul3A_216 = arith.muli %scan3A_195, %mul3A_215 : i32
      %swap3A_217 = arith.index_cast %mul3A_216 : i32 to index
      %swap3A_218 = tpu.vector_load %arg8[%swap3A_217] {strides = array<i32>} : memref<1024xf32, #tpu.memory_space<vmem>>, vector<16xf32>,
      tpu.vector_store %arg8[%swap3A_217], %add3A_214 {strides = array<i32>} : memref<1024xf32, #tpu.memory_space<vmem>>, vector<16xf32>,
    }
    %scan3A_194 = arith.constant 64 : i32
    "tpu.region"() ({
      %run_scoped3A = tpu.sem_alloc : memref<!tpu.dma_semaphore, #tpu.memory_space<semaphore_mem>>
      %dma_start3A = arith.constant 0 : i32
      %dma_start3A_195 = tpu.memref_slice %arg3[%add3A, %dma_start3A] : memref<32x1024xf32, #tpu.memory_space<hbm>> -> memref<1x1024xf32, #tpu.memory_space<hbm>>
      %dma_start3A_196 = tpu.memref_squeeze %dma_start3A_195 : memref<1x1024xf32, #tpu.memory_space<hbm>> -> memref<1024xf32, #tpu.memory_space<hbm>>
      %dma_start3A_197 = arith.constant 0 : i32
      %dma_start3A_198 = tpu.memref_slice %arg3[%add3A, %dma_start3A_197] : memref<32x1024xf32, #tpu.memory_space<hbm>> -> memref<1x1024xf32, #tpu.memory_space<hbm>>
      %dma_start3A_199 = tpu.memref_squeeze %dma_start3A_198 : memref<1x1024xf32, #tpu.memory_space<hbm>> -> memref<1024xf32, #tpu.memory_space<hbm>>
      tpu.enqueue_dma source(%arg8 : memref<1024xf32, #tpu.memory_space<vmem>>) target(%dma_start3A_199 : memref<1024xf32, #tpu.memory_space<hbm>>) target_semaphore(%run_scoped3A : memref<!tpu.dma_semaphore, #tpu.memory_space<semaphore_mem>>)
      %dma_wait3A = arith.constant 0 : i32
      %dma_wait3A_200 = tpu.memref_slice %arg3[%add3A, %dma_wait3A] : memref<32x1024xf32, #tpu.memory_space<hbm>> -> memref<1x1024xf32, #tpu.memory_space<hbm>>
      %dma_wait3A_201 = tpu.memref_squeeze %dma_wait3A_200 : memref<1x1024xf32, #tpu.memory_space<hbm>> -> memref<1024xf32, #tpu.memory_space<hbm>>
      %dma_wait3A_202 = arith.constant 0 : i32
      %dma_wait3A_203 = tpu.memref_slice %arg3[%add3A, %dma_wait3A_202] : memref<32x1024xf32, #tpu.memory_space<hbm>> -> memref<1x1024xf32, #tpu.memory_space<hbm>>
      %dma_wait3A_204 = tpu.memref_squeeze %dma_wait3A_203 : memref<1x1024xf32, #tpu.memory_space<hbm>> -> memref<1024xf32, #tpu.memory_space<hbm>>
      tpu.wait_dma2 semaphore(%run_scoped3A : memref<!tpu.dma_semaphore, #tpu.memory_space<semaphore_mem>>) src(%arg8 : memref<1024xf32, #tpu.memory_space<vmem>>) dst(%dma_wait3A_204 : memref<1024xf32, #tpu.memory_space<hbm>>)
      tpu.yield
    }) : () -> ()
    return
  }
}

module attributes {stable_mosaic.version = 14 : i64} {
  func.func @_tc_linear_body(%arg0: memref<2048x16xf32, #tpu.memory_space<vmem>>, %arg1: memref<128x16xf32, #tpu.memory_space<vmem>>, %arg2: memref<1x128xf32, #tpu.memory_space<vmem>>, %arg3: memref<2048x128xf32, #tpu.memory_space<vmem>>) attributes {dimension_semantics = [], scalar_prefetch = 0 : i64, scratch_operands = 0 : i64, tpu.core_type = #tpu.core_type<tc>} {
    %get3A = arith.constant 0 : index
    %get3A_0 = arith.constant 0 : index
    %get3A_1 = vector.load %arg0[%get3A, %get3A_0] : memref<2048x16xf32, #tpu.memory_space<vmem>>, vector<2048x16xf32>
    %get3A_2 = arith.constant 0 : index
    %get3A_3 = arith.constant 0 : index
    %get3A_4 = vector.load %arg1[%get3A_2, %get3A_3] : memref<128x16xf32, #tpu.memory_space<vmem>>, vector<128x16xf32>
    %dot_general3A = arith.constant dense<0.000000e+00> : vector<2048x128xf32>
    %dot_general3A_5 = tpu.matmul %get3A_1, %get3A_4, %dot_general3A {dimension_numbers = #tpu.dot_dimension_numbers<[1], [1], [0], [0], [0, 0, 1, 0], [], []>, transpose_lhs_hint = false} : vector<2048x16xf32>, vector<128x16xf32>, vector<2048x128xf32> -> vector<2048x128xf32>
    %get3A_6 = arith.constant 0 : index
    %get3A_7 = arith.constant 0 : index
    %get3A_8 = vector.load %arg2[%get3A_6, %get3A_7] : memref<1x128xf32, #tpu.memory_space<vmem>>, vector<1x128xf32>
    %add3A = vector.broadcast %get3A_8 : vector<1x128xf32> to vector<2048x128xf32>
    %add3A_9 = arith.addf %dot_general3A_5, %add3A : vector<2048x128xf32>
    %max3A = arith.constant 0.000000e+00 : f32
    %max3A_10 = vector.broadcast %max3A : f32 to vector<2048x128xf32>
    %max3A_11 = arith.maximumf %add3A_9, %max3A_10 : vector<2048x128xf32>
    %swap3A = arith.constant 0 : index
    %swap3A_12 = arith.constant 0 : index
    %swap3A_13 = vector.load %arg3[%swap3A, %swap3A_12] : memref<2048x128xf32, #tpu.memory_space<vmem>>, vector<2048x128xf32>
    tpu.vector_store %arg3[%swap3A, %swap3A_12], %max3A_11 {strides = array<i32>} : memref<2048x128xf32, #tpu.memory_space<vmem>>, vector<2048x128xf32>,
    return
  }
}

</mosaic_0001>

<sc_bundles>
// kernel: kernel.4.cloned.1.call-start
scs
__scs_entry_jumppad:
0x0: {  	(pc) =	sbr.rel $0x88, $3  }
0x1: {  	(tag) =	ssettag $0x0;
	lr =	simm.s32 $0x1  }
0x2: {  	[smem:$0x3F9E] =	sst lr;
	_ =	strace $0xD0000000  }
0x3: {  	_ = 	snop  }
0x4: {  	_ = 	snop  }
0x5: {  	_ = 	snop  }
0x6: {  	_ = 	snop  }
0x7: {  	_ = 	snop  }
__scs_overlays_trampoline_lowered:
0x8: {  	[smem:$0x3FAD] =	sst s0  }
0x9: {  	[smem:$0x3FAE] =	sst s1  }
0xa: {  	[smem:$0x3FAF] =	sst s2  }
0xb: {  	[smem:$0x3FB0] =	sst s3  }
0xc: {  	[smem:$0x3FB1] =	sst s4  }
0xd: {  	[smem:$0x3FB2] =	sst s5  }
0xe: {  	[smem:$0x3FB3] =	sst s6  }
0xf: {  	[smem:$0x3FB4] =	sst s7  }
0x10: {  	[smem:$0x3FB5] =	sst s8  }
0x11: {  	[smem:$0x3FB6] =	sst s9;
	s0 =	simm.s32 @!p0 $0x0  }
0x12: {  	s1 =	sld [smem:$0x3F9C];
	s0 =	simm.s32 @p0 $0x1  }
0x13: {  	[smem:$0x3FB7] =	sst s0;
	s0 =	simm.s32 @!p1 $0x0  }
0x14: {  	s2 =	sld [smem:$0x3F9B];
	s0 =	simm.s32 @p1 $0x1  }
0x15: {  	[smem:$0x3FB8] =	sst s0;
	s0 =	simm.s32 @!p2 $0x0  }
0x16: {  	s3 =	sld [smem:$0x3FDB];
	s0 =	simm.s32 @p2 $0x1  }
0x17: {  	s4 =	simm.s32 $0x1BF5;
	[smem:$0x3FBA] =	sst s0  }
0x18: {  	s0 =	sld [smem:$0x3F9D];
	_ =	swait.ge [sflag:s4], $0x0  }
0x19: {  	s7 =	sld [smem:$0x3F9E]  }
0x1a: {  	s8 =	sadd.s32 $0xFFFFE003, lr  }
0x1b: {  	s9 =	sadd.s32 $0xFFFFFEF7, lr;
	s5 =	simm.s32 $0xFFFFFFFF;
	p2 =	slt.u32 s8, $0xFFFFF086  }
0x1c: {  	p1 =	slt.u32 s9, $0xF7A;
	s5 =	simm.s32 @!p2 $0x0  }
0x1d: {  	s5 =	simm.s32 @p1 $0x1;
	p0 =	seq.s32 s7, s2  }
0x1e: {  	s7 =	smul.u32 @!p0 $0xF7A, s2;
	p2 =	seq.s32 @!p0 s5, $0x0  }
0x1f: {  	s9 =	smul.u32 $0xF7A, s1;
	s8 =	simm.s32 @!p0 $0x1BF5;
	p2 =	por !p2, p0  }
0x20: {  	[sflag:s8] =	ssyncset.s32 @!p0 $0xFFFFF086;
	s6 =	sadd.s32 @!p0 s3, s7;
	s7 =	simm.s32 @!p0 $0x108  }
0x21: {  	s3 =	sadd.s32 s3, s9;
	s6 =	sadd.s32 @!p0 $0x88, s6;
	s7 =	simm.s32 @p2 $0x1082  }
0x22: {  	[simem:s7], [sflag:s8] =	dma.local @!p0 [hbm:s6], $0xF7A  }
0x23: {  	s9 =	sor.u32 $0xD0000000, s2;
	s6 =	simm.s32 $0x108;
	_ =	swait.ge @!p0 [sflag:s8], $0x0  }
0x24: {  	s3 =	sadd.s32 $0x88, s3;
	s6 =	simm.s32 @!p1 $0x1082;
	[sflag:s4] =	ssyncset.s32 $0xFFFFF086  }
0x25: {  	[simem:s6], [sflag:s4] =	dma.local [hbm:s3], $0xF7A  }
0x26: {  	[smem:$0x3F9E] =	sst s1;
	(tag) =	ssettag s2;
	_ =	strace s9  }
0x27: {  	s1 =	sld [smem:$0x3FAE]  }
0x28: {  	s2 =	sld [smem:$0x3FAF]  }
0x29: {  	s4 =	sld [smem:$0x3FB1]  }
0x2a: {  	p0 =	seq.s32 s5, $0x0;
	s5 =	sld [smem:$0x3FB2]  }
0x2b: {  	s6 =	sld [smem:$0x3FB3]  }
0x2c: {  	s7 =	sld [smem:$0x3FB4]  }
0x2d: {  	s3 =	simm.s32 $0x108;
	s8 =	sld [smem:$0x3FB5]  }
0x2e: {  	s3 =	simm.s32 @!p0 $0x1082;
	s9 =	sld [smem:$0x3FB6]  }
0x2f: {  	lr =	sadd.s32 s0, s3;
	s0 =	sld [smem:$0x3FAD]  }
0x30: {  	s3 =	sld [smem:$0x3FB0]  }
0x31: {  	[smem:$0x3FB9] =	sst s10  }
0x32: {  	s10 =	sld [smem:$0x3FB7];
	_ =	sdelay $0x3  }
0x33: {  	p0 =	seq.s32 s10, $0x1;
	s10 =	sld [smem:$0x3FB9];
	_ =	sdelay $0x3  }
0x34: {  	[smem:$0x3FB9] =	sst s10  }
0x35: {  	s10 =	sld [smem:$0x3FB8];
	_ =	sdelay $0x3  }
0x36: {  	p1 =	seq.s32 s10, $0x1;
	s10 =	sld [smem:$0x3FB9];
	_ =	sdelay $0x3  }
0x37: {  	[smem:$0x3FB9] =	sst s10  }
0x38: {  	s10 =	sld [smem:$0x3FBA]  }
0x39: {  	_ = 	snop;
	(pc) =	sbr.ind lr, $3  }
0x3a: {  	_ = 	snop  }
0x3b: {  	_ = 	snop  }
0x3c: {  	p2 =	seq.s32 s10, $0x1;
	s10 =	sld [smem:$0x3FB9]  }
0x3d: {  	_ =	shalt  }
0x3e: {  	_ =	shalt  }
0x3f: {  	_ =	shalt  }
0x40: {  	_ =	shalt  }
0x41: {  	_ =	shalt  }
0x42: {  	_ =	shalt  }
0x43: {  	_ =	shalt  }
0x44: {  	_ =	shalt  }
0x45: {  	_ =	shalt  }
0x46: {  	_ =	shalt  }
0x47: {  	_ =	shalt  }
0x48: {  	_ =	shalt  }
0x49: {  	_ =	shalt  }
0x4a: {  	_ =	shalt  }
0x4b: {  	_ =	shalt  }
0x4c: {  	_ =	shalt  }
0x4d: {  	_ =	shalt  }
0x4e: {  	_ =	shalt  }
0x4f: {  	_ =	shalt  }
0x50: {  	_ =	shalt  }
0x51: {  	_ =	shalt  }
0x52: {  	_ =	shalt  }
0x53: {  	_ =	shalt  }
0x54: {  	_ =	shalt  }
0x55: {  	_ =	shalt  }
0x56: {  	_ =	shalt  }
0x57: {  	_ =	shalt  }
0x58: {  	_ =	shalt  }
0x59: {  	_ =	shalt  }
0x5a: {  	_ =	shalt  }
0x5b: {  	_ =	shalt  }
0x5c: {  	_ =	shalt  }
0x5d: {  	_ =	shalt  }
0x5e: {  	_ =	shalt  }
0x5f: {  	_ =	shalt  }
0x60: {  	_ =	shalt  }
0x61: {  	_ =	shalt  }
0x62: {  	_ =	shalt  }
0x63: {  	_ =	shalt  }
0x64: {  	_ =	shalt  }
0x65: {  	_ =	shalt  }
0x66: {  	_ =	shalt  }
0x67: {  	_ =	shalt  }
0x68: {  	_ =	shalt  }
0x69: {  	_ =	shalt  }
0x6a: {  	_ =	shalt  }
0x6b: {  	_ =	shalt  }
0x6c: {  	_ =	shalt  }
0x6d: {  	_ =	shalt  }
0x6e: {  	_ =	shalt  }
0x6f: {  	_ =	shalt  }
0x70: {  	_ =	shalt  }
0x71: {  	_ =	shalt  }
0x72: {  	_ =	shalt  }
0x73: {  	_ =	shalt  }
0x74: {  	_ =	shalt  }
0x75: {  	_ =	shalt  }
0x76: {  	_ =	shalt  }
0x77: {  	_ =	shalt  }
0x78: {  	_ =	shalt  }
0x79: {  	_ =	shalt  }
0x7a: {  	_ =	shalt  }
0x7b: {  	_ =	shalt  }
0x7c: {  	_ =	shalt  }
0x7d: {  	_ =	shalt  }
0x7e: {  	_ =	shalt  }
0x7f: {  	_ =	shalt  }
0x80: {  	_ =	shalt  }
0x81: {  	_ =	shalt  }
0x82: {  	_ =	shalt  }
0x83: {  	_ =	shalt  }
0x84: {  	_ =	shalt  }
0x85: {  	_ =	shalt  }
0x86: {  	_ =	shalt  }
0x87: {  	_ =	shalt  }
.Lfunc_end0:
.L_simem_size_0:
called_computation_lowered:
.L_overlay_start_0:
0x88: {  	s2 =	sld [smem:$0x3FD9]  }
0x89: {  	s3 =	sld [smem:$0x3FFE];
	_ =	sdelay $0x1  }
0x8a: {  	s1 =	srdreg.scid  }
0x8b: {  	s0 =	sand.u32 $0x1, s1  }
0x8c: {  	s17 =	sshll.u32 s0, $0xA;
	s2 =	sadd.s32 s3, s2  }
0x8d: {  	s2 =	sadd.s32 s2, s17  }
0x8e: {  	[smem:$0x3FC5] =	sst s2  }
0x8f: {  	_ = 	snop  }
0x90: {  	s2 =	sld [smem:$0x3FD0];
	(tm) =	ssettm $0x1  }
0x91: {  	s18 =	sld [smem:$0x3FFB];
	_ =	sdelay $0x3  }
0x92: {  	_ =	strace s18  }
0x93: {  	s3 =	sld [smem:$0x3FFC];
	_ =	sdelay $0x3  }
0x94: {  	_ =	strace s3  }
0x95: {  	s3 =	sld [smem:$0x3FFD];
	_ =	sdelay $0x3  }
0x96: {  	_ =	strace s3  }
0x97: {  	_ =	strace $0x8FFFFFFF  }
0x98: {  	s19 =	sld [smem:$0x3FDB];
	_ =	sdelay $0x1  }
0x99: {  	s4 =	simm.s32 $_scs_section_size  }
0x9a: {  	s5 =	simm.s32 $_size__tile_overlayer_lowered;
	s6 =	simm.s32 $_tile_overlayer_lowered  }
0x9b: {  	s22 =	simm.s32 $0x1BFF;
	s21 =	sshll.u32 s6, $0x1;
	s3 =	sadd.s32 s4, s19  }
0x9c: {  	s7 =	simm.s32 $0x0;
	s20 =	sshll.u32 s5, $0x1;
	s5 =	sadd.s32 s21, s3  }
0x9d: {  	[timem:s7], [sflag:s22] =	dma.local [hbm:s5], s20  }
0x9e: {  	_ =	swait.ge [sflag:s22], s20  }
0x9f: {  	s4 =	ssub.s32 $0x0, s20;
	[sflag:s22] =	ssyncset.done $0x0  }
0xa0: {  	[sflag:s22] =	ssyncadd.s32 s4;
	_ =	sdelay $0x1  }
0xa1: {  	s23 =	simm.s32 $0x1B8B  }
0xa2: {  	_ =	swait.ge [sflag:s23], $0x1  }
0xa3: {  	[sflag:s23] =	ssyncset.done $0x0  }
0xa4: {  	s25 =	simm.s32 $0x1B8E;
	s24 =	sld [smem:$0x3FFE];
	[sflag:s23] =	ssyncadd.s32 $0xFFFFFFFF  }
0xa5: {  	s26 =	simm.s32 $execute0_lowered;
	[smem:$0x3FD2] =	sst s25  }
0xa6: {  	s5 =	sshll.u32 s26, $0x1;
	_ =	strace $0x80000046;
	[dreg:$0x1] =	wrdreg $0xFFFFFFFF  }
0xa7: {  	s28 =	simm.s32 $_size_execute0_lowered;
	s3 =	sadd.s32 s3, s5;
	[dreg:$0x0] =	wrdreg $0x0  }
0xa8: {  	s5 =	sshll.u32 s28, $0x1;
	[dreg:$0x2] =	wrdreg s3  }
0xa9: {  	[dreg:$0x3] =	wrdreg s5  }
0xaa: {  	[dreg:$0x4] =	wrdreg $0xC0  }
0xab: {  	_ =	task [dreg:s7], $0x5FFFF  }
0xac: {  	[dreg:$0x1] =	wrdreg $0xFFFFFFFF  }
0xad: {  	[dreg:$0x0] =	wrdreg $0x60  }
0xae: {  	[dreg:$0x2] =	wrdreg s24  }
0xaf: {  	[dreg:$0x3] =	wrdreg s2  }
0xb0: {  	[dreg:$0x4] =	wrdreg $0x9  }
0xb1: {  	_ =	task.clear_ibuf [dreg:s7], $0x5FFFF;
	_ =	strace $0x90000046  }
0xb2: {  	s29 =	simm.s32 $0x9;
	_ =	strace $0x80000048  }
0xb3: {  	_ =	swait.ge [sflag:s29], $0x1  }
0xb4: {  	[sflag:s29] =	ssyncadd.s32 $0xFFFFFFFF  }
0xb5: {  	_ =	strace $0x90000048  }
0xb6: {  	_ =	sfence  }
0xb7: {  	s30 =	sld [smem:$0x0];
	_ =	sdelay $0x2  }
0xb8: {  	s31 =	sshll.u32 s1, $0xD;
	s1 =	sshrl.u32 s1, $0x2  }
0xb9: {  	s3 =	sand.u32 $0x4000, s31;
	s1 =	sadd.s32 s1, s30  }
0xba: {  	s0 =	sor.u32 s3, s0;
	s1 =	sshll.u32 s1, $0x11  }
0xbb: {  	s0 =	sor.u32 s1, s0  }
0xbc: {  	s0 =	sadd.s32 $0x8F2B, s0  }
0xbd: {  	[sflag:s0] =	ssyncadd.remote.s32 $0x1  }
0xbe: {  	_ =	sfence.sel $0xFFFF  }
0xbf: {  	[dreg:$0x0] =	wrdreg $0xFFFFFFFF;
	(pc) =	sbr.abs _section_cstart, $3  }
0xc0: {  	[dreg:$0x1] =	wrdreg $0xFFFFFFFF  }
0xc1: {  	_ =	task.clear_ibuf [dreg:s7], $0x2FFFF;
	_ =	strace $0x9FFFFFFF  }
0xc2: {  	(tm) =	ssettm $0x7FFFFFFF  }
0xc3: {  	_ =	shalt  }
tec
execute0_lowered:
.L_overlay_start_1:
0x0: {  	(tag) =	ssettag $0x1  }
0x1: {  	v0 =	vimm.s32 $0x384;
	vm1 =	vcmask $0x300;
	vm2 =	vcmask $0x704  }
0x2: {  	vm9 =	vcmask $0xB08;
	vm10 =	vcmask $0xF0C;
	vm11 =	vcmask $0x1310  }
0x3: {  	vm8 =	vcmask $0x1714;
	vm7 =	vcmask $0x1B18;
	v0 =	vsel vm1, $0x0, v0  }
0x4: {  	vm6 =	vcmask $0x1F1C;
	vm5 =	vcmask $0x2320;
	v0 =	vsel vm2, $0x80, v0  }
0x5: {  	v1 =	vlaneseq.u32;
	vm4 =	vcmask $0x2724;
	v0 =	vsel vm9, $0x100, v0  }
0x6: {  	vm3 =	vcmask $0x2B28;
	v2 =	vimm.s32 $0x38C;
	v0 =	vsel vm10, $0x180, v0  }
0x7: {  	vm0 =	vcmask $0x2F2C;
	v2 =	vsel vm1, $0x8, v2;
	v0 =	vsel vm11, $0x200, v0  }
0x8: {  	v4 =	vimm.s32 $0x71615141;
	v2 =	vsel vm2, $0x88, v2;
	v0 =	vsel vm8, $0x280, v0  }
0x9: {  	vm12 =	vcmask $0x3330;
	v2 =	vsel vm9, $0x108, v2;
	v0 =	vsel vm7, $0x300, v0  }
0xa: {  	vm13 =	vcmask $0x1F10;
	v2 =	vsel vm10, $0x188, v2;
	v0 =	vsel vm6, $0x380, v0  }
0xb: {  	v5 =	vimm.s32 $0x70605040;
	v2 =	vsel vm11, $0x208, v2;
	v0 =	vsel vm5, $0x4, v0  }
0xc: {  	v6 =	vimm.s32 $0x33231303;
	v2 =	vsel vm8, $0x288, v2;
	v0 =	vsel vm4, $0x84, v0  }
0xd: {  	s3 =	rddreg [dreg:$0x0];
	v7 =	vimm.s32 $0x73635343;
	v2 =	vsel vm7, $0x308, v2;
	v3 =	vsel vm3, $0x104, v0  }
0xe: {  	s5 =	rddreg [dreg:$0x1];
	v0 =	vmul.u32 $0x2, v1;
	v1 =	vsel vm0, $0x184, v3;
	v3 =	vimm.s32 $0x31211101  }
0xf: {  	s0 =	rddreg [dreg:$0x2];
	v4 =	vunpack.c.0.s8.s32 v4;
	v2 =	vsel vm6, $0x388, v2;
	v3 =	vunpack.c.0.s8.s32 v3  }
0x10: {  	s1 =	simm.s32 $0x0;
	s4 =	srdreg.scid;
	s2 =	stileid.u32;
	vm14 =	vcmask $0x3734;
	vm15 =	vcmask $0x3B38;
	v2 =	vsel vm5, $0xC, v2  }
0x11: {  	s9 =	simm.s32 $0x1800;
	s10 =	simm.s32 $0x2800;
	s11 =	simm.s32 $0x2880;
	v2 =	vsel vm4, $0x8C, v2;
	v3 =	vsel vm13, v4, v3;
	v4 =	vimm.s32 $0x30201000  }
0x12: {  	s12 =	simm.s32 $0x2000;
	s13 =	simm.s32 $0x80;
	s14 =	simm.s32 $0x400;
	v5 =	vunpack.c.0.s8.s32 v5;
	v2 =	vsel vm3, $0x10C, v2;
	v4 =	vunpack.c.0.s8.s32 v4  }
0x13: {  	s15 =	simm.s32 $0x2400;
	s16 =	simm.s32 $0x0;
	[smem:$0x7FF] =	sst s1;
	v6 =	vunpack.c.0.s8.s32 v6;
	v7 =	vunpack.c.0.s8.s32 v7;
	v2 =	vsel vm0, $0x18C, v2  }
0x14: {  	s4 =	sand.u32 $0x1, s4;
	s3 =	sadd.s32 $0x800, s3;
	s7 =	sshll.u32 s2, $0x1;
	v1 =	vsel vm12, $0x204, v1;
	v2 =	vsel vm12, $0x20C, v2;
	v4 =	vsel vm13, v5, v4  }
0x15: {  	s30 =	sshll.u32 s2, $0x8;
	_ =	strace $0x80000047;
	s6 =	ssub.s32 $0x2, s4;
	v5 =	vsel vm13, v7, v6;
	v6 =	vimm.s32 $0x32221202;
	v7 =	vimm.s32 $0x72625242  }
0x16: {  	s4 =	sor.u32 s4, s7;
	s7 =	sand.u32 $0xC00, s30;
	s8 =	sshrl.u32 s6, $0x1;
	v1 =	vsel vm14, $0x284, v1;
	v6 =	vunpack.c.0.s8.s32 v6;
	v7 =	vunpack.c.0.s8.s32 v7  }
0x17: {  	s31 =	sshll.u32 s4, $0x4;
	s4 =	sshll.u32 s4, $0x6;
	s5 =	sadd.s32 s5, s7;
	v8 =	vsel vm14, $0x28C, v2;
	v1 =	vsel vm15, $0x304, v1;
	v2 =	vcombine.low v4, v3  }
0x18: {  	s7 =	simm.s32 $0x1;
	s6 =	ssub.s32 s6, s8;
	s8 =	sand.u32 $0x70, s31;
	v3 =	vsel vm15, $0x30C, v8;
	v6 =	vsel vm13, v7, v6;
	v7 =	vimm.f32 $1.000000000e+00  }
0x19: {  	s5 =	sadd.s32 s8, s5;
	s6 =	smax.u32 s6, $0x1;
	s8 =	simm.s32 $0x1000;
	v4 =	vcombine.low v6, v5;
	v5 =	vimm.f32 $0.0e+00;
	v6 =	vimm.f32 $1.000000000e+09  }
.LBB2_1:
0x1a: {  	[tilespmem:s1], [sflag:$0x1] =	stream.linear.gather [hbm4b:s3+s1], $0x1000, $0x38;
	[tilespmem:$0x2900] =	vst v63  }
0x1b: {  	s28 =	simm.s32 $0x70;
	v15 =	vmov s1  }
0x1c: {  	s17 =	simm.s32 $0x10;
	v9 =	vmov s28;
	v15 =	vshll.u32 v15, $0x1  }
0x1d: {  	s18 =	simm.s32 $0x20;
	v8 =	vmov s17;
	v9 =	vshll.u32 v9, $0x1;
	v15 =	vor.u32 v0, v15  }
0x1e: {  	s29 =	simm.s32 $0x30;
	v10 =	vmov s18;
	v8 =	vshll.u32 v8, $0x1;
	v9 =	vor.u32 v0, v9  }
0x1f: {  	s30 =	simm.s32 $0x40;
	v11 =	vmov s29;
	_ =	swait.ge [sflag:s7], $0x1000;
	v10 =	vshll.u32 v10, $0x1;
	v8 =	vor.u32 v0, v8  }
0x20: {  	s31 =	simm.s32 $0x50;
	v12 =	vmov s30;
	v11 =	vshll.u32 v11, $0x1;
	[sflag:s7] =	ssyncset.done $0x0;
	v10 =	vor.u32 v0, v10  }
0x21: {  	s19 =	simm.s32 $0x90;
	v13 =	vmov s31;
	v12 =	vshll.u32 v12, $0x1;
	v11 =	vor.u32 v0, v11;
	[sflag:s7] =	ssyncadd.s32 $0xFFFFF000  }
0x22: {  	s18 =	simm.s32 $0x60;
	v18 =	vmov s19;
	v13 =	vshll.u32 v13, $0x1;
	v12 =	vor.u32 v0, v12;
	v27 =	vld.idx.msk [tilespmem:v15+s1+$0x0], $0xffff  }
0x23: {  	v14 =	vmov s18;
	v18 =	vshll.u32 v18, $0x1;
	v13 =	vor.u32 v0, v13;
	v17 =	vld.idx.msk [tilespmem:v9+s1+$0x0], $0xffff  }
0x24: {  	v14 =	vshll.u32 v14, $0x1;
	v20 =	vor.u32 v0, v18;
	v16 =	vld.idx.msk [tilespmem:v8+s1+$0x0], $0xffff  }
0x25: {  	v14 =	vor.u32 v0, v14;
	v19 =	vld.idx.msk [tilespmem:v10+s1+$0x0], $0xffff  }
0x26: {  	s20 =	simm.s32 $0x80;
	s21 =	simm.s32 $0xA0;
	v18 =	vld.idx.msk [tilespmem:v11+s1+$0x0], $0xffff;
	v9 =	vor.u32 $0x1, v9  }
0x27: {  	s22 =	simm.s32 $0xB0;
	v21 =	vmov s20;
	v24 =	vmov s21;
	v22 =	vld.idx.msk [tilespmem:v12+s1+$0x0], $0xffff;
	v8 =	vor.u32 $0x1, v8  }
0x28: {  	s24 =	simm.s32 $0xC0;
	v26 =	vmov s22;
	v23 =	vld.idx.msk [tilespmem:v13+s1+$0x0], $0xffff;
	v10 =	vor.u32 $0x1, v10;
	v17 =	vmul.f32 $4.000000000e+00, v17  }
0x29: {  	s23 =	simm.s32 $0x1040;
	v29 =	vmov s24;
	v11 =	vor.u32 $0x1, v11;
	v28 =	vld.idx.msk [tilespmem:v20+s1+$0x0], $0xffff;
	v16 =	vmul.f32 $4.000000000e+00, v16  }
0x2a: {  	v21 =	vshll.u32 v21, $0x1;
	v12 =	vor.u32 $0x1, v12;
	v25 =	vld.idx.msk [tilespmem:v14+s1+$0x0], $0xffff;
	v19 =	vmul.f32 $4.000000000e+00, v19;
	[tilespmem:s23+$0x30] =	vst v17  }
0x2b: {  	s25 =	simm.s32 $0xF0;
	v15 =	vor.u32 $0x1, v15;
	v13 =	vor.u32 $0x1, v13;
	[tilespmem:s23+$0xFFFFFFD0] =	vst v16;
	v16 =	vmul.f32 $4.000000000e+00, v18;
	v9 =	vld.idx.msk [tilespmem:v9+s1+$0x0], $0xffff  }
0x2c: {  	s26 =	simm.s32 $0xD0;
	v14 =	vor.u32 $0x1, v14;
	v17 =	vmov s25;
	[tilespmem:s23+$0xFFFFFFE0] =	vst v19;
	v18 =	vmul.f32 $4.000000000e+00, v22;
	v8 =	vld.idx.msk [tilespmem:v8+s1+$0x0], $0xffff  }
0x2d: {  	v19 =	vmov s26;
	v17 =	vshll.u32 v17, $0x1;
	v10 =	vld.idx.msk [tilespmem:v10+s1+$0x0], $0xffff;
	[tilespmem:s23+$0xFFFFFFF0] =	vst v16;
	v16 =	vmul.f32 $4.000000000e+00, v23  }
0x2e: {  	v22 =	vor.u32 v0, v17;
	v17 =	vshll.u32 v24, $0x1;
	[tilespmem:s23+$0x0] =	vst v18;
	v18 =	vmul.f32 $4.000000000e+00, v27;
	v23 =	vld.idx.msk [tilespmem:v11+s1+$0x0], $0xffff  }
0x2f: {  	s28 =	simm.s32 $0xE0;
	v11 =	vmul.f32 $4.000000000e+00, v25;
	v25 =	vor.u32 v0, v17;
	v17 =	vshll.u32 v26, $0x1;
	v24 =	vld.idx.msk [tilespmem:v12+s1+$0x0], $0xffff;
	[tilespmem:s23+$0x10] =	vst v16  }
0x30: {  	v12 =	vshll.u32 v29, $0x1;
	v26 =	vor.u32 v0, v17;
	v16 =	vmov s28;
	[tilespmem:s23+$0xFFFFFFC0] =	vst v18;
	v27 =	vld.idx.msk [tilespmem:v13+s1+$0x0], $0xffff  }
0x31: {  	v30 =	vor.u32 v0, v12;
	[tilespmem:s23+$0x20] =	vst v11;
	v11 =	vshll.u32 v19, $0x1;
	v31 =	vld.idx.msk [tilespmem:v15+s1+$0x0], $0xffff;
	v9 =	vmul.f32 $4.000000000e+00, v9  }
0x32: {  	s17 =	simm.s32 $0x1840;
	s29 =	simm.s32 $0x110;
	v14 =	vld.idx.msk [tilespmem:v14+s1+$0x0], $0xffff;
	v13 =	vor.u32 v0, v11;
	v11 =	vshll.u32 v16, $0x1;
	v8 =	vmul.f32 $4.000000000e+00, v8  }
0x33: {  	v16 =	vmov s29;
	v10 =	vmul.f32 $4.000000000e+00, v10;
	v29 =	vld.idx.msk [tilespmem:v22+s1+$0x0], $0xffff;
	v12 =	vor.u32 v0, v11;
	[tilespmem:s17+$0x30] =	vst v9  }
0x34: {  	v11 =	vor.u32 v0, v21;
	v9 =	vshll.u32 v16, $0x1;
	v32 =	vld.idx.msk [tilespmem:v25+s1+$0x0], $0xffff;
	[tilespmem:s17+$0xFFFFFFD0] =	vst v8;
	v15 =	vmul.f32 $4.000000000e+00, v23  }
0x35: {  	s19 =	simm.s32 $0x100;
	v28 =	vmul.f32 $4.000000000e+00, v28;
	[tilespmem:s17+$0xFFFFFFE0] =	vst v10;
	v10 =	vmul.f32 $4.000000000e+00, v24;
	v8 =	vor.u32 v0, v9;
	v18 =	vld.idx.msk [tilespmem:v26+s1+$0x0], $0xffff  }
0x36: {  	v16 =	vmov s19;
	v23 =	vor.u32 $0x1, v22;
	v17 =	vld.idx.msk [tilespmem:v30+s1+$0x0], $0xffff;
	[tilespmem:s17+$0xFFFFFFF0] =	vst v15;
	v22 =	vmul.f32 $4.000000000e+00, v27  }
0x37: {  	s31 =	simm.s32 $0x130;
	v24 =	vor.u32 $0x1, v20;
	v25 =	vor.u32 $0x1, v25;
	[tilespmem:s17+$0x0] =	vst v10;
	v19 =	vld.idx.msk [tilespmem:v13+s1+$0x0], $0xffff;
	v10 =	vmul.f32 $4.000000000e+00, v14  }
0x38: {  	s30 =	simm.s32 $0x120;
	v9 =	vshll.u32 v16, $0x1;
	v16 =	vmov s31;
	v21 =	vld.idx.msk [tilespmem:v12+s1+$0x0], $0xffff;
	v33 =	vmul.f32 $4.000000000e+00, v29;
	[tilespmem:s17+$0x10] =	vst v22  }
0x39: {  	s20 =	simm.s32 $0x140;
	s18 =	simm.s32 $0x10C0;
	v26 =	vor.u32 $0x1, v26;
	v15 =	vmov s30;
	v27 =	vor.u32 $0x1, v30;
	v20 =	vld.idx.msk [tilespmem:v11+s1+$0x0], $0xffff;
	[tilespmem:s17+$0x20] =	vst v10  }
0x3a: {  	s21 =	simm.s32 $0x170;
	v14 =	vmul.f32 $4.000000000e+00, v31;
	v22 =	vmov s20;
	s20 =	simm.s32 $0x180;
	v29 =	vmul.f32 $4.000000000e+00, v32;
	v10 =	vld.idx.msk [tilespmem:v8+s1+$0x0], $0xffff;
	[tilespmem:s18+$0x30] =	vst v33  }
.LBB2_2:
0x3b: {  	p0 =	slt.u32 s20, $0x780;
	v30 =	vmov s21;
	[tilespmem:s18+$0xFFFFFFD0] =	vst v28;
	v18 =	vmul.f32 $4.000000000e+00, v18;
	v13 =	vor.u32 $0x1, v13;
	v23 =	vld.idx.msk [tilespmem:v23+s1+$0x0], $0xffff  }
0x3c: {  	s21 =	sadd.s32 $0x50, s19;
	v17 =	vmul.f32 $4.000000000e+00, v17;
	v12 =	vor.u32 $0x1, v12;
	v28 =	vshll.u32 v30, $0x1;
	v24 =	vld.idx.msk [tilespmem:v24+s1+$0x0], $0xffff;
	[tilespmem:s18+$0xFFFFFFE0] =	vst v29  }
0x3d: {  	v29 =	vmov s21;
	v28 =	vor.u32 v0, v28;
	v25 =	vld.idx.msk [tilespmem:v25+s1+$0x0], $0xffff;
	[tilespmem:s18+$0xFFFFFFF0] =	vst v18;
	v18 =	vmul.f32 $4.000000000e+00, v19  }
0x3e: {  	v15 =	vshll.u32 v15, $0x1;
	v11 =	vor.u32 $0x1, v11;
	v19 =	vld.idx.msk [tilespmem:v26+s1+$0x0], $0xffff;
	[tilespmem:s18+$0x0] =	vst v17;
	v17 =	vmul.f32 $4.000000000e+00, v21  }
0x3f: {  	s21 =	sadd.s32 $0x60, s19;
	s19 =	smov.u32 s20;
	v21 =	vor.u32 v0, v15;
	v15 =	vshll.u32 v16, $0x1;
	v16 =	vmul.f32 $4.000000000e+00, v20;
	v20 =	vld.idx.msk [tilespmem:v27+s1+$0x0], $0xffff;
	[tilespmem:s18+$0x10] =	vst v18  }
0x40: {  	v26 =	vor.u32 v0, v15;
	v15 =	vshll.u32 v22, $0x1;
	v18 =	vmov s21;
	v22 =	vld.idx.msk [tilespmem:v13+s1+$0x0], $0xffff;
	[tilespmem:s18+$0x20] =	vst v17  }
0x41: {  	v27 =	vor.u32 v0, v15;
	v13 =	vshll.u32 v29, $0x1;
	v15 =	vmul.f32 $4.000000000e+00, v23;
	[tilespmem:s18+$0xFFFFFFC0] =	vst v16;
	v16 =	vld.idx.msk [tilespmem:v12+s1+$0x0], $0xffff  }
0x42: {  	s21 =	sadd.s32 $0x10, s20;
	v13 =	vor.u32 v0, v13;
	v12 =	vshll.u32 v18, $0x1;
	v17 =	vmul.f32 $4.000000000e+00, v24;
	v29 =	vld.idx.msk [tilespmem:v28+s1+$0x0], $0xffff;
	[tilespmem:s17+$0xFFFFFFC0] =	vst v14;
	s17 =	sadd.s32 $0x80, s17  }
0x43: {  	v14 =	vmov s21;
	v12 =	vor.u32 v0, v12;
	v23 =	vmul.f32 $4.000000000e+00, v25;
	v30 =	vld.idx.msk [tilespmem:v11+s1+$0x0], $0xffff;
	[tilespmem:s17+$0x30] =	vst v15  }
0x44: {  	v14 =	vshll.u32 v14, $0x1;
	v11 =	vor.u32 v0, v9;
	v15 =	vmul.f32 $4.000000000e+00, v19;
	v31 =	vld.idx.msk [tilespmem:v21+s1+$0x0], $0xffff;
	[tilespmem:s17+$0xFFFFFFD0] =	vst v17  }
0x45: {  	v9 =	vmov s20;
	v32 =	vor.u32 v0, v14;
	v14 =	vmul.f32 $4.000000000e+00, v20;
	v18 =	vld.idx.msk [tilespmem:v26+s1+$0x0], $0xffff;
	[tilespmem:s17+$0xFFFFFFE0] =	vst v23  }
.Ltmp0:
0x46: {  	s21 =	sadd.s32 $0x20, s20;
	v9 =	vshll.u32 v9, $0x1;
	v23 =	vor.u32 $0x1, v28;
	v20 =	vmul.f32 $4.000000000e+00, v22;
	v17 =	vld.idx.msk [tilespmem:v27+s1+$0x0], $0xffff;
	[tilespmem:s17+$0xFFFFFFF0] =	vst v15;
	(pc) =	sbr.rel @p0 .LBB2_2-.Ltmp0, $4  }
0x47: {  	v24 =	vor.u32 $0x1, v8;
	v8 =	vmovc v32;
	v15 =	vmov s21;
	s21 =	sadd.s32 $0x30, s20;
	v22 =	vmul.f32 $4.000000000e+00, v16;
	v19 =	vld.idx.msk [tilespmem:v13+s1+$0x0], $0xffff;
	[tilespmem:s17+$0x0] =	vst v14  }
0x48: {  	v25 =	vor.u32 $0x1, v21;
	v16 =	vmov s21;
	v33 =	vmul.f32 $4.000000000e+00, v29;
	v21 =	vld.idx.msk [tilespmem:v12+s1+$0x0], $0xffff;
	[tilespmem:s17+$0x10] =	vst v20  }
0x49: {  	s18 =	sadd.s32 $0x80, s18;
	v28 =	vmul.f32 $4.000000000e+00, v10;
	v26 =	vor.u32 $0x1, v26;
	s21 =	sadd.s32 $0x40, s20;
	v14 =	vmul.f32 $4.000000000e+00, v30;
	v20 =	vld.idx.msk [tilespmem:v11+s1+$0x0], $0xffff;
	[tilespmem:s17+$0x20] =	vst v22  }
0x4a: {  	v27 =	vor.u32 $0x1, v27;
	s20 =	sadd.s32 $0x80, s20;
	v22 =	vmov s21;
	s21 =	sadd.s32 $0x70, s19;
	v29 =	vmul.f32 $4.000000000e+00, v31;
	v10 =	vld.idx.msk [tilespmem:v32+s1+$0x0], $0xffff;
	[tilespmem:s18+$0x30] =	vst v33  }
0x4b: {  	_ =	sdelay $0x1  }
0x4c: {  	[tilespmem:s18+$0xFFFFFFD0] =	vst v28  }
0x4d: {  	v18 =	vmul.f32 $4.000000000e+00, v18;
	v32 =	vmov s21;
	[tilespmem:s17+$0xFFFFFFC0] =	vst v14  }
0x4e: {  	v13 =	vor.u32 $0x1, v13;
	v23 =	vld.idx.msk [tilespmem:v23+s1+$0x0], $0xffff;
	v17 =	vmul.f32 $4.000000000e+00, v17;
	v12 =	vor.u32 $0x1, v12;
	[tilespmem:s18+$0xFFFFFFE0] =	vst v29  }
0x4f: {  	v15 =	vshll.u32 v15, $0x1;
	v16 =	vshll.u32 v16, $0x1;
	v24 =	vld.idx.msk [tilespmem:v24+s1+$0x0], $0xffff;
	v33 =	vmul.f32 $4.000000000e+00, v19;
	[tilespmem:s18+$0xFFFFFFF0] =	vst v18  }
0x50: {  	v39 =	vshll.u32 v22, $0x1;
	v15 =	vor.u32 v0, v15;
	v25 =	vld.idx.msk [tilespmem:v25+s1+$0x0], $0xffff;
	[tilespmem:s18+$0x0] =	vst v17;
	v35 =	vmul.f32 $4.000000000e+00, v21  }
0x51: {  	s20 =	sadd.s32 $0x50, s19;
	v11 =	vor.u32 $0x1, v11;
	v16 =	vor.u32 v0, v16;
	v36 =	vld.idx.msk [tilespmem:v26+s1+$0x0], $0xffff;
	v20 =	vmul.f32 $4.000000000e+00, v20;
	[tilespmem:s18+$0x10] =	vst v33  }
0x52: {  	s29 =	sadd.s32 $0x60, s19;
	v28 =	vshll.u32 v32, $0x1;
	v37 =	vmov s20;
	v38 =	vld.idx.msk [tilespmem:v27+s1+$0x0], $0xffff;
	[tilespmem:s18+$0x20] =	vst v35;
	v10 =	vmul.f32 $4.000000000e+00, v10  }
0x53: {  	s31 =	sadd.s32 $0x80, s18;
	v40 =	vmov s29;
	v34 =	vor.u32 v0, v28;
	v13 =	vld.idx.msk [tilespmem:v13+s1+$0x0], $0xffff;
	[tilespmem:s18+$0xFFFFFFC0] =	vst v20;
	v41 =	vmul.f32 $4.000000000e+00, v23  }
0x54: {  	s30 =	sadd.s32 $0x80, s17;
	v17 =	vor.u32 v0, v39;
	v18 =	vshll.u32 v37, $0x1;
	v12 =	vld.idx.msk [tilespmem:v12+s1+$0x0], $0xffff;
	v42 =	vmul.f32 $4.000000000e+00, v24;
	[tilespmem:s31+$0xFFFFFFD0] =	vst v10  }
0x55: {  	v44 =	vshll.u32 v40, $0x1;
	v43 =	vor.u32 v0, v18;
	v48 =	vld.idx.msk [tilespmem:v15+s1+$0x0], $0xffff;
	v46 =	vmul.f32 $4.000000000e+00, v25;
	[tilespmem:s30+$0x30] =	vst v41  }
0x56: {  	v18 =	vor.u32 v0, v44;
	v50 =	vld.idx.msk [tilespmem:v16+s1+$0x0], $0xffff;
	[tilespmem:s30+$0xFFFFFFD0] =	vst v42;
	v47 =	vmul.f32 $4.000000000e+00, v36  }
0x57: {  	v9 =	vor.u32 v0, v9;
	v11 =	vld.idx.msk [tilespmem:v11+s1+$0x0], $0xffff;
	v49 =	vmul.f32 $4.000000000e+00, v38;
	[tilespmem:s30+$0xFFFFFFE0] =	vst v46  }
0x58: {  	v8 =	vor.u32 $0x1, v8;
	v45 =	vld.idx.msk [tilespmem:v34+s1+$0x0], $0xffff;
	[tilespmem:s30+$0xFFFFFFF0] =	vst v47;
	v13 =	vmul.f32 $4.000000000e+00, v13  }
0x59: {  	v53 =	vor.u32 $0x1, v15;
	v51 =	vld.idx.msk [tilespmem:v17+s1+$0x0], $0xffff;
	[tilespmem:s30+$0x0] =	vst v49;
	v12 =	vmul.f32 $4.000000000e+00, v12  }
0x5a: {  	v16 =	vor.u32 $0x1, v16;
	v52 =	vld.idx.msk [tilespmem:v43+s1+$0x0], $0xffff;
	v21 =	vmul.f32 $4.000000000e+00, v48;
	[tilespmem:s30+$0x10] =	vst v13  }
0x5b: {  	v19 =	vor.u32 $0x1, v34;
	v54 =	vld.idx.msk [tilespmem:v18+s1+$0x0], $0xffff;
	v56 =	vmul.f32 $4.000000000e+00, v50;
	[tilespmem:s30+$0x20] =	vst v12  }
0x5c: {  	v55 =	vld.idx.msk [tilespmem:v9+s1+$0x0], $0xffff;
	v17 =	vor.u32 $0x1, v17;
	v58 =	vmul.f32 $4.000000000e+00, v11;
	[tilespmem:s31+$0xFFFFFFE0] =	vst v21  }
0x5d: {  	v14 =	vor.u32 $0x1, v43;
	v8 =	vld.idx.msk [tilespmem:v8+s1+$0x0], $0xffff;
	v22 =	vmul.f32 $4.000000000e+00, v45;
	[tilespmem:s31+$0xFFFFFFF0] =	vst v56  }
0x5e: {  	v18 =	vor.u32 $0x1, v18;
	v20 =	vmul.f32 $4.000000000e+00, v51;
	[tilespmem:s30+$0xFFFFFFC0] =	vst v58;
	v13 =	vld.idx.msk [tilespmem:v53+s1+$0x0], $0xffff  }
0x5f: {  	v9 =	vor.u32 $0x1, v9;
	v57 =	vmul.f32 $4.000000000e+00, v52;
	[tilespmem:s31+$0x30] =	vst v22;
	v16 =	vld.idx.msk [tilespmem:v16+s1+$0x0], $0xffff  }
0x60: {  	v15 =	vmul.f32 $4.000000000e+00, v54;
	[tilespmem:s31+$0x0] =	vst v20;
	v19 =	vld.idx.msk [tilespmem:v19+s1+$0x0], $0xffff  }
0x61: {  	v12 =	vmul.f32 $4.000000000e+00, v55;
	[tilespmem:s31+$0x10] =	vst v57;
	v59 =	vld.idx.msk [tilespmem:v17+s1+$0x0], $0xffff  }
0x62: {  	v8 =	vmul.f32 $4.000000000e+00, v8;
	[tilespmem:s31+$0x20] =	vst v15;
	v14 =	vld.idx.msk [tilespmem:v14+s1+$0x0], $0xffff  }
0x63: {  	s17 =	sadd.s32 $0x80, s30;
	[tilespmem:s31+$0xFFFFFFC0] =	vst v12;
	v15 =	vld.idx.msk [tilespmem:v18+s1+$0x0], $0xffff;
	v61 =	vmul.f32 $4.000000000e+00, v13  }
0x64: {  	[tilespmem:s17+$0xFFFFFFD0] =	vst v8;
	v9 =	vld.idx.msk [tilespmem:v9+s1+$0x0], $0xffff;
	v8 =	vmul.f32 $4.000000000e+00, v16  }
0x65: {  	v60 =	vmul.f32 $4.000000000e+00, v19;
	[tilespmem:s17+$0xFFFFFFE0] =	vst v61  }
0x66: {  	v62 =	vmul.f32 $4.000000000e+00, v59;
	[tilespmem:s17+$0xFFFFFFF0] =	vst v8  }
0x67: {  	v8 =	vmul.f32 $4.000000000e+00, v14;
	[tilespmem:s17+$0x30] =	vst v60  }
0x68: {  	v63 =	vmul.f32 $4.000000000e+00, v15;
	[tilespmem:s17+$0x0] =	vst v62  }
0x69: {  	[tilespmem:s17+$0x10] =	vst v8;
	v8 =	vmul.f32 $4.000000000e+00, v9  }
0x6a: {  	[tilespmem:s17+$0x20] =	vst v63  }
0x6b: {  	[tilespmem:s17+$0xFFFFFFC0] =	vst v8  }
0x6c: {  	[tilespmem:$0x2800] =	vst v1  }
0x6d: {  	[tilespmem:$0x2880] =	vst v2  }
0x6e: {  	[tilespmem:$0x2810] =	vst v3  }
0x6f: {  	[tilespmem:$0x2890] =	vst v4  }
0x70: {  	[tilespmem:$0x2000] =	vst v5  }
0x71: {  	[tilespmem:$0x2010] =	vst v5  }
0x72: {  	[tilespmem:$0x2020] =	vst v5  }
0x73: {  	[tilespmem:$0x2030] =	vst v5  }
0x74: {  	[tilespmem:$0x2040] =	vst v5  }
0x75: {  	[tilespmem:$0x2050] =	vst v5  }
0x76: {  	[tilespmem:$0x2060] =	vst v5  }
0x77: {  	[tilespmem:$0x2070] =	vst v5  }
0x78: {  	[tilespmem:$0x2080] =	vst v5  }
0x79: {  	[tilespmem:$0x2090] =	vst v5  }
0x7a: {  	[tilespmem:$0x20A0] =	vst v5  }
0x7b: {  	[tilespmem:$0x20B0] =	vst v5  }
0x7c: {  	[tilespmem:$0x20C0] =	vst v5  }
0x7d: {  	[tilespmem:$0x20D0] =	vst v5  }
0x7e: {  	[tilespmem:$0x20E0] =	vst v5  }
0x7f: {  	[tilespmem:$0x20F0] =	vst v5  }
0x80: {  	[tilespmem:$0x2100] =	vst v5  }
0x81: {  	[tilespmem:$0x2110] =	vst v5  }
0x82: {  	[tilespmem:$0x2120] =	vst v5  }
0x83: {  	[tilespmem:$0x2130] =	vst v5  }
0x84: {  	[tilespmem:$0x2140] =	vst v5  }
0x85: {  	[tilespmem:$0x2150] =	vst v5  }
0x86: {  	[tilespmem:$0x2160] =	vst v5  }
0x87: {  	[tilespmem:$0x2170] =	vst v5  }
0x88: {  	[tilespmem:$0x2180] =	vst v5  }
0x89: {  	[tilespmem:$0x2190] =	vst v5  }
0x8a: {  	[tilespmem:$0x21A0] =	vst v5  }
0x8b: {  	[tilespmem:$0x21B0] =	vst v5  }
0x8c: {  	[tilespmem:$0x21C0] =	vst v5  }
0x8d: {  	[tilespmem:$0x21D0] =	vst v5  }
0x8e: {  	[tilespmem:$0x21E0] =	vst v5  }
0x8f: {  	[tilespmem:$0x21F0] =	vst v5  }
0x90: {  	[tilespmem:$0x2200] =	vst v5  }
0x91: {  	[tilespmem:$0x2210] =	vst v5  }
0x92: {  	[tilespmem:$0x2220] =	vst v5  }
0x93: {  	[tilespmem:$0x2230] =	vst v5  }
0x94: {  	[tilespmem:$0x2240] =	vst v5  }
0x95: {  	[tilespmem:$0x2250] =	vst v5  }
0x96: {  	[tilespmem:$0x2260] =	vst v5  }
0x97: {  	[tilespmem:$0x2270] =	vst v5  }
0x98: {  	[tilespmem:$0x2280] =	vst v5  }
0x99: {  	[tilespmem:$0x2290] =	vst v5  }
0x9a: {  	[tilespmem:$0x22A0] =	vst v5  }
0x9b: {  	[tilespmem:$0x22B0] =	vst v5  }
0x9c: {  	[tilespmem:$0x22C0] =	vst v5  }
0x9d: {  	[tilespmem:$0x22D0] =	vst v5  }
0x9e: {  	[tilespmem:$0x22E0] =	vst v5  }
0x9f: {  	[tilespmem:$0x22F0] =	vst v5  }
0xa0: {  	[tilespmem:$0x2300] =	vst v5  }
0xa1: {  	[tilespmem:$0x2310] =	vst v5  }
0xa2: {  	[tilespmem:$0x2320] =	vst v5  }
0xa3: {  	[tilespmem:$0x2330] =	vst v5  }
0xa4: {  	[tilespmem:$0x2340] =	vst v5  }
0xa5: {  	[tilespmem:$0x2350] =	vst v5  }
0xa6: {  	[tilespmem:$0x2360] =	vst v5  }
0xa7: {  	[tilespmem:$0x2370] =	vst v5  }
0xa8: {  	[tilespmem:$0x2380] =	vst v5  }
0xa9: {  	[tilespmem:$0x2390] =	vst v5  }
0xaa: {  	[tilespmem:$0x23A0] =	vst v5  }
0xab: {  	[tilespmem:$0x23B0] =	vst v5  }
0xac: {  	[tilespmem:$0x23C0] =	vst v5  }
0xad: {  	[tilespmem:$0x23D0] =	vst v5  }
0xae: {  	[tilespmem:$0x23E0] =	vst v5  }
0xaf: {  	s17 =	simm.s32 $0x0;
	[tilespmem:$0x23F0] =	vst v5  }
.LBB2_4:
0xb0: {  	s18 =	sadd.s32 s4, s17  }
0xb1: {  	v8 =	vmov s18;
	_ =	sdelay $0x4  }
0xb2: {  	v9 =	vld.idx.msk [tilespmem:v8+s8+$0x0], $0xffff  }
0xb3: {  	s29 =	simm.s32 $0x1840;
	v10 =	vld.idx.msk [tilespmem:v8+s9+$0x0], $0xffff;
	[tilespmem:v8+s8+$0x0] =	vst.idx.msk $0xffff, v6  }
0xb4: {  	v11 =	vld [tilespmem:s29+$0xFFFFFFE0]  }
0xb5: {  	s19 =	simm.s32 $0x1040;
	v12 =	vld [tilespmem:s29+$0xFFFFFFD0]  }
0xb6: {  	v13 =	vld [tilespmem:s19+$0x10]  }
0xb7: {  	v14 =	vld [tilespmem:s19+$0xFFFFFFE0]  }
0xb8: {  	v15 =	vld [tilespmem:s19+$0x30]  }
0xb9: {  	v16 =	vld [tilespmem:s19+$0xFFFFFFC0]  }
0xba: {  	v17 =	vld [tilespmem:s29+$0x30]  }
0xbb: {  	v18 =	vld [tilespmem:s29+$0x0]  }
0xbc: {  	v19 =	vld [tilespmem:s19+$0x20]  }
0xbd: {  	v25 =	vld [tilespmem:s19+$0x0]  }
0xbe: {  	s31 =	simm.s32 $0x10C0;
	v26 =	vld [tilespmem:s29+$0xFFFFFFC0]  }
0xbf: {  	s30 =	simm.s32 $0x18C0;
	v34 =	vld [tilespmem:s31+$0xFFFFFFE0]  }
0xc0: {  	v40 =	vld [tilespmem:s30+$0x10];
	v11 =	vsub.f32 v11, v10;
	v15 =	vsub.f32 v15, v9  }
0xc1: {  	v42 =	vld [tilespmem:s31+$0x0];
	v12 =	vsub.f32 v12, v10;
	v14 =	vsub.f32 v14, v9  }
0xc2: {  	v23 =	vsub.f32 v16, v9;
	v24 =	vsub.f32 v17, v10  }
0xc3: {  	v27 =	vsub.f32 v13, v9;
	v19 =	vsub.f32 v19, v9  }
0xc4: {  	v18 =	vsub.f32 v18, v10;
	v25 =	vsub.f32 v25, v9  }
0xc5: {  	v26 =	vsub.f32 v26, v10;
	v34 =	vsub.f32 v34, v9  }
0xc6: {  	v59 =	vsub.f32 v40, v10;
	v63 =	vsub.f32 v42, v9  }
0xc7: {  	v20 =	vadd.f32 $1.600000000e+01, v11;
	v16 =	vadd.f32 $1.600000000e+01, v12  }
0xc8: {  	v17 =	vadd.f32 $1.600000000e+01, v15;
	v28 =	vadd.f32 $1.600000000e+01, v18  }
0xc9: {  	v21 =	vld [tilespmem:s19+$0xFFFFFFD0];
	v11 =	vmin.f32 v14, v11;
	v29 =	vadd.f32 $1.600000000e+01, v27;
	v14 =	vadd.f32 $1.600000000e+01, v14  }
0xca: {  	v22 =	vld [tilespmem:s29+$0x10];
	v18 =	vmin.f32 v25, v18;
	v25 =	vadd.f32 $1.600000000e+01, v25;
	v15 =	vmin.f32 v15, v24  }
0xcb: {  	v24 =	vadd.f32 $1.600000000e+01, v24;
	vm0 =	vge.f32 v18, $-1.600000000e+01;
	v20 =	vtrunc.f32 v20  }
0xcc: {  	v18 =	vadd.f32 $1.600000000e+01, v19;
	v17 =	vtrunc.f32 v17;
	v32 =	vtrunc.f32 v16  }
0xcd: {  	vm4 =	vge.f32 v11, $-1.600000000e+01;
	v28 =	vtrunc.f32 v28;
	v29 =	vtrunc.f32 v29  }
0xce: {  	v14 =	vtrunc.f32 v14;
	v13 =	vcvt.f32.s32 v20;
	v20 =	vsub.f32 v21, v9  }
0xcf: {  	v30 =	vld [tilespmem:s29+$0x20];
	v24 =	vtrunc.f32 v24;
	v21 =	vsub.f32 v22, v10;
	v22 =	vadd.f32 $1.600000000e+01, v23  }
0xd0: {  	v51 =	vld [tilespmem:s30+$0xFFFFFFD0];
	v17 =	vcvt.f32.s32 v17;
	v23 =	vmin.f32 v23, v26;
	v29 =	vcvt.f32.s32 v29  }
0xd1: {  	v26 =	vadd.f32 $1.600000000e+01, v26;
	v18 =	vtrunc.f32 v18;
	v28 =	vcvt.f32.s32 v28  }
0xd2: {  	v24 =	vcvt.f32.s32 v24;
	v22 =	vtrunc.f32 v22;
	v31 =	vadd.f32 $1.600000000e+01, v20  }
0xd3: {  	v12 =	vmin.f32 v20, v12;
	v26 =	vtrunc.f32 v26;
	v16 =	vcvt.f32.s32 v22  }
0xd4: {  	v20 =	vld [tilespmem:s29+$0xFFFFFFF0];
	v22 =	vmin.f32 v27, v21;
	v21 =	vadd.f32 $1.600000000e+01, v21;
	vm2 =	vge.f32 v12, $-1.600000000e+01  }
0xd5: {  	v12 =	vsub.f32 v30, v10;
	v30 =	vcvt.f32.s32 v32;
	v32 =	vsub.f32 v51, v10  }
0xd6: {  	v27 =	vtrunc.f32 v31;
	vm1 =	vge.f32 v22, $-1.600000000e+01;
	v22 =	vtrunc.f32 v25  }
0xd7: {  	v55 =	vld [tilespmem:s31+$0xFFFFFFD0];
	v21 =	vtrunc.f32 v21;
	v27 =	vcvt.f32.s32 v27;
	v50 =	vadd.f32 $1.600000000e+01, v12  }
0xd8: {  	v31 =	vld [tilespmem:s19+$0xFFFFFFF0];
	v22 =	vcvt.f32.s32 v22;
	v12 =	vmin.f32 v19, v12;
	v41 =	vadd.f32 $1.600000000e+01, v32  }
0xd9: {  	v21 =	vcvt.f32.s32 v21;
	vm9 =	vge.f32 v12, $-1.600000000e+01;
	v20 =	vsub.f32 v20, v10  }
0xda: {  	v54 =	vld [tilespmem:s31+$0xFFFFFFC0];
	v33 =	vor.u32 v27, v30;
	v25 =	vtrunc.f32 v50;
	v52 =	vor.u32 v22, v28  }
0xdb: {  	v19 =	vld [tilespmem:s30+$0xFFFFFFE0];
	v41 =	vtrunc.f32 v41;
	vm3 =	vlt.u32 v33, $0x20;
	v35 =	vor.u32 v29, v21  }
0xdc: {  	v25 =	vcvt.f32.s32 v25;
	v33 =	vsub.f32 v55, v9;
	vm2 =	vmand vm2, vm3  }
0xdd: {  	vm3 =	vge.f32 v23, $-1.600000000e+01;
	v23 =	vcvt.f32.s32 v18;
	v31 =	vsub.f32 v31, v9  }
0xde: {  	v18 =	vcvt.f32.s32 v26;
	v26 =	vcvt.f32.s32 v14;
	v14 =	vadd.f32 $1.600000000e+01, v20  }
0xdf: {  	vm6 =	vlt.u32 v35, $0x20;
	v35 =	vsub.f32 v54, v9;
	v54 =	vadd.f32 $1.600000000e+01, v63  }
0xe0: {  	v53 =	vld [tilespmem:s31+$0x30];
	v19 =	vsub.f32 v19, v10;
	v32 =	vmin.f32 v33, v32;
	v11 =	vadd.f32 $1.600000000e+01, v31  }
0xe1: {  	v44 =	vld [tilespmem:s30+$0xFFFFFFC0];
	v20 =	vmin.f32 v31, v20;
	v31 =	vor.u32 v26, v13;
	v14 =	vtrunc.f32 v14  }
0xe2: {  	v57 =	vor.u32 v23, v25;
	v60 =	vadd.f32 $1.600000000e+01, v35;
	v45 =	vor.u32 v16, v18  }
0xe3: {  	v37 =	vld [tilespmem:s30+$0x30];
	vm5 =	vlt.u32 v31, $0x20;
	v36 =	vadd.f32 $1.600000000e+01, v19;
	v39 =	vcvt.f32.s32 v14  }
0xe4: {  	v56 =	vld [tilespmem:s30+$0x0];
	v14 =	vor.u32 v17, v24;
	v11 =	vtrunc.f32 v11;
	vm5 =	vmand vm4, vm5  }
0xe5: {  	v31 =	vld [tilespmem:s31+$0x10];
	vm4 =	vlt.u32 v52, $0x20;
	vm8 =	vlt.u32 v14, $0x20;
	v14 =	vsub.f32 v53, v9  }
0xe6: {  	v58 =	vld [tilespmem:s30+$0x20];
	v52 =	vsub.f32 v44, v10;
	v53 =	vadd.f32 $1.600000000e+01, v33;
	vm0 =	vmand vm0, vm4  }
0xe7: {  	v55 =	vld [tilespmem:s30+$0xFFFFFFF0];
	vm4 =	vmand vm1, vm6;
	v38 =	vcvt.f32.s32 v11;
	vm1 =	vge.f32 v15, $-1.600000000e+01  }
0xe8: {  	v11 =	vtrunc.f32 v36;
	vm6 =	vge.f32 v20, $-1.600000000e+01;
	v20 =	vld [tilespmem:s31+$0x20];
	vm8 =	vmand vm1, vm8  }
0xe9: {  	v27 =	vld.idx.msk [tilespmem:v27+s10+$0x0], vm2;
	v12 =	vadd.f32 $1.600000000e+01, v14;
	v11 =	vcvt.f32.s32 v11;
	v15 =	vor.u32 v38, v39  }
0xea: {  	v30 =	vld.idx.msk [tilespmem:v30+s11+$0x0], vm2;
	v35 =	vmin.f32 v35, v52;
	vm7 =	vlt.u32 v15, $0x20;
	v31 =	vsub.f32 v31, v9  }
0xeb: {  	v12 =	vtrunc.f32 v12;
	vm7 =	vmand vm6, vm7;
	vm6 =	vlt.u32 v57, $0x20;
	v62 =	vld.idx.msk [tilespmem:v13+s11+$0x0], vm5  }
0xec: {  	v15 =	vsub.f32 v37, v10;
	v12 =	vcvt.f32.s32 v12;
	vm1 =	vmand vm9, vm6;
	v26 =	vld.idx.msk [tilespmem:v26+s10+$0x0], vm5  }
0xed: {  	v43 =	vsub.f32 v20, v9;
	v20 =	vmin.f32 v34, v19;
	v46 =	vadd.f32 $1.600000000e+01, v31;
	v19 =	vld.idx.msk [tilespmem:v29+s10+$0x0], vm4  }
0xee: {  	vm6 =	vlt.u32 v45, $0x20;
	v13 =	vtrunc.f32 v60;
	v34 =	vadd.f32 $1.600000000e+01, v34;
	v21 =	vld.idx.msk [tilespmem:v21+s11+$0x0], vm4  }
0xef: {  	v48 =	vmin.f32 v31, v59;
	v31 =	vadd.f32 $1.600000000e+01, v59;
	vm9 =	vge.f32 v32, $-1.600000000e+01;
	v57 =	vld.idx.msk [tilespmem:v28+s11+$0x0], vm0  }
0xf0: {  	v29 =	vsub.f32 v56, v10;
	v27 =	vadd.s32 v27, v30;
	v13 =	vcvt.f32.s32 v13;
	v47 =	vld.idx.msk [tilespmem:v24+s11+$0x0], vm8  }
0xf1: {  	vm3 =	vmand vm3, vm6;
	vm10 =	vge.f32 v48, $-1.600000000e+01;
	v24 =	vtrunc.f32 v53;
	v17 =	vld.idx.msk [tilespmem:v17+s10+$0x0], vm8  }
0xf2: {  	v56 =	vtrunc.f32 v46;
	v31 =	vtrunc.f32 v31;
	v28 =	vadd.f32 $1.600000000e+01, v43;
	v30 =	vld.idx.msk [tilespmem:v38+s10+$0x0], vm7  }
0xf3: {  	v32 =	vtrunc.f32 v34;
	v61 =	vadd.f32 $1.600000000e+01, v29;
	v29 =	vmin.f32 v63, v29;
	v39 =	vld.idx.msk [tilespmem:v39+s11+$0x0], vm7  }
0xf4: {  	v24 =	vcvt.f32.s32 v24;
	v63 =	vld [tilespmem:s31+$0xFFFFFFF0];
	vm6 =	vge.f32 v29, $-1.600000000e+01;
	v29 =	vsub.f32 v58, v10  }
0xf5: {  	v38 =	vtrunc.f32 v61;
	v59 =	vadd.s32 v26, v62;
	v21 =	vadd.s32 v19, v21;
	v58 =	vld.idx.msk [tilespmem:v25+s11+$0x0], vm1  }
0xf6: {  	v19 =	vcvt.f32.s32 v31;
	v60 =	vld.idx.msk [tilespmem:v23+s10+$0x0], vm1;
	v25 =	vadd.f32 $1.600000000e+01, v52;
	v23 =	vcvt.f32.s32 v41  }
0xf7: {  	v61 =	vld.idx.msk [tilespmem:v22+s10+$0x0], vm0;
	v26 =	vadd.f32 $1.600000000e+01, v29;
	v31 =	vsub.f32 v55, v10;
	v62 =	vadd.s32 v17, v47  }
0xf8: {  	v22 =	vcvt.f32.s32 v56;
	[tilespmem:v27+s12+$0x0] =	vst.idx.msk vm2, v7;
	v27 =	vld.idx.msk [tilespmem:v16+s10+$0x0], vm3;
	v16 =	vtrunc.f32 v28;
	v30 =	vadd.s32 v30, v39  }
0xf9: {  	v28 =	vld.idx.msk [tilespmem:v18+s11+$0x0], vm3;
	v42 =	vtrunc.f32 v25;
	v17 =	vor.u32 v24, v23;
	v25 =	vtrunc.f32 v26  }
0xfa: {  	v18 =	vcvt.f32.s32 v16;
	v26 =	vmin.f32 v43, v29;
	v33 =	vsub.f32 v63, v9;
	[tilespmem:v59+s12+$0x0] =	vst.idx.msk vm5, v7  }
0xfb: {  	vm2 =	vlt.u32 v17, $0x20;
	v17 =	vtrunc.f32 v54;
	v16 =	vcvt.f32.s32 v42;
	[tilespmem:v21+s12+$0x0] =	vst.idx.msk vm4, v7  }
0xfc: {  	vm2 =	vmand vm9, vm2;
	v17 =	vcvt.f32.s32 v17;
	v29 =	vadd.s32 v61, v57;
	[tilespmem:v62+s12+$0x0] =	vst.idx.msk vm8, v7  }
0xfd: {  	s20 =	simm.s32 $0x1940;
	s18 =	simm.s32 $0x80;
	s19 =	simm.s32 $0x1140;
	vm4 =	vge.f32 v35, $-1.600000000e+01;
	v21 =	vcvt.f32.s32 v38;
	[tilespmem:v30+s12+$0x0] =	vst.idx.msk vm7, v7;
	v30 =	vadd.s32 v60, v58  }
.LBB2_5:
0xfe: {  	v34 =	vld [tilespmem:s20+$0xFFFFFFE0];
	s18 =	sadd.s32 $0x80, s18;
	v32 =	vcvt.f32.s32 v32;
	vm5 =	vge.f32 v20, $-1.600000000e+01;
	v20 =	vadd.s32 v27, v28  }
0xff: {  	v35 =	vadd.f32 $1.600000000e+01, v31;
	v27 =	vld [tilespmem:s20+$0xFFFFFFD0];
	p0 =	slt.u32 s18, $0x780;
	v28 =	vadd.f32 $1.600000000e+01, v33;
	v31 =	vmin.f32 v33, v31  }
0x100: {  	v14 =	vmin.f32 v14, v15;
	v37 =	vor.u32 v17, v21;
	v33 =	vld [tilespmem:s19+$0x10];
	v36 =	vor.u32 v32, v11  }
0x101: {  	v35 =	vtrunc.f32 v35;
	v38 =	vld [tilespmem:s19+$0xFFFFFFE0];
	vm7 =	vlt.u32 v36, $0x20;
	v28 =	vtrunc.f32 v28;
	[tilespmem:v29+s12+$0x0] =	vst.idx.msk vm0, v7  }
0x102: {  	v15 =	vadd.f32 $1.600000000e+01, v15;
	v36 =	vor.u32 v22, v19;
	v29 =	vld [tilespmem:s20+$0x10];
	vm5 =	vmand vm5, vm7;
	[tilespmem:v30+s12+$0x0] =	vst.idx.msk vm1, v7  }
0x103: {  	vm0 =	vlt.u32 v37, $0x20;
	vm1 =	vlt.u32 v36, $0x20;
	v30 =	vld [tilespmem:s19+$0xFFFFFFC0];
	v34 =	vsub.f32 v34, v10;
	[tilespmem:v20+s12+$0x0] =	vst.idx.msk vm3, v7  }
0x104: {  	v15 =	vtrunc.f32 v15;
	vm0 =	vmand vm6, vm0;
	vm7 =	vmand vm10, vm1;
	v20 =	vld [tilespmem:s19+$0x30]  }
0x105: {  	v37 =	vcvt.f32.s32 v15;
	v36 =	vadd.f32 $1.600000000e+01, v34;
	v24 =	vld.idx.msk [tilespmem:v24+s10+$0x0], vm2  }
0x106: {  	v35 =	vcvt.f32.s32 v35;
	v28 =	vcvt.f32.s32 v28;
	v15 =	vld [tilespmem:s20+$0x30]  }
0x107: {  	v40 =	vor.u32 v12, v37;
	vm1 =	vge.f32 v14, $-1.600000000e+01;
	v36 =	vtrunc.f32 v36;
	v39 =	vld [tilespmem:s20+$0x20]  }
0x108: {  	vm3 =	vge.f32 v31, $-1.600000000e+01;
	v42 =	vor.u32 v28, v35;
	vm6 =	vlt.u32 v40, $0x20;
	v41 =	vld [tilespmem:s20+$0x0]  }
0x109: {  	v25 =	vcvt.f32.s32 v25;
	vm8 =	vlt.u32 v42, $0x20;
	v31 =	vld [tilespmem:s19+$0x20];
	v14 =	vsub.f32 v20, v9  }
0x10a: {  	v27 =	vsub.f32 v27, v10;
	v38 =	vsub.f32 v38, v9;
	vm8 =	vmand vm3, vm8;
	v20 =	vld [tilespmem:s19+$0xFFFFFFD0]  }
0x10b: {  	v40 =	vor.u32 v18, v25;
	v30 =	vsub.f32 v30, v9;
	v15 =	vsub.f32 v15, v10;
	v23 =	vld.idx.msk [tilespmem:v23+s11+$0x0], vm2  }
0x10c: {  	vm10 =	vge.f32 v26, $-1.600000000e+01;
	vm9 =	vmand vm1, vm6;
	vm3 =	vlt.u32 v40, $0x20;
	v42 =	vld [tilespmem:s20+$0xFFFFFFC0]  }
0x10d: {  	v26 =	vadd.f32 $1.600000000e+01, v27;
	vm1 =	vmand vm10, vm3;
	v43 =	vadd.f32 $1.600000000e+01, v14;
	v40 =	vld [tilespmem:s19+$0x0]  }
0x10e: {  	v33 =	vsub.f32 v33, v9;
	v36 =	vcvt.f32.s32 v36;
	v44 =	vsub.f32 v31, v9;
	v22 =	vld.idx.msk [tilespmem:v22+s10+$0x0], vm7  }
0x10f: {  	v31 =	vsub.f32 v20, v9;
	v20 =	vmin.f32 v38, v34;
	v34 =	vtrunc.f32 v43;
	v19 =	vld.idx.msk [tilespmem:v19+s11+$0x0], vm7  }
0x110: {  	v29 =	vsub.f32 v29, v10;
	v41 =	vsub.f32 v41, v10;
	v34 =	vcvt.f32.s32 v34;
	v28 =	vld.idx.msk [tilespmem:v28+s10+$0x0], vm8  }
0x111: {  	v45 =	vor.u32 v13, v16;
	v43 =	vadd.f32 $1.600000000e+01, v30;
	v23 =	vadd.s32 v24, v23;
	v46 =	vld.idx.msk [tilespmem:v11+s11+$0x0], vm5;
	v11 =	vmovc v36  }
0x112: {  	vm3 =	vlt.u32 v45, $0x20;
	v24 =	vadd.f32 $1.600000000e+01, v41;
	v36 =	vadd.f32 $1.600000000e+01, v33;
	v37 =	vld.idx.msk [tilespmem:v37+s11+$0x0], vm9  }
0x113: {  	v38 =	vadd.f32 $1.600000000e+01, v38;
	v43 =	vtrunc.f32 v43;
	v40 =	vsub.f32 v40, v9;
	v35 =	vld.idx.msk [tilespmem:v35+s11+$0x0], vm8  }
0x114: {  	v26 =	vtrunc.f32 v26;
	v42 =	vsub.f32 v42, v10;
	v45 =	vadd.f32 $1.600000000e+01, v31;
	v47 =	vld.idx.msk [tilespmem:v12+s10+$0x0], vm9;
	v12 =	vmovc v34  }
0x115: {  	v33 =	vmin.f32 v33, v29;
	v34 =	vcvt.f32.s32 v43;
	v41 =	vmin.f32 v40, v41;
	v32 =	vld.idx.msk [tilespmem:v32+s10+$0x0], vm5  }
0x116: {  	v43 =	vtrunc.f32 v45;
	v45 =	vtrunc.f32 v24;
	v24 =	vadd.f32 $1.600000000e+01, v29;
	[tilespmem:v23+s12+$0x0] =	vst.idx.msk vm2, v7;
	v21 =	vld.idx.msk [tilespmem:v21+s11+$0x0], vm0  }
0x117: {  	vm3 =	vmand vm4, vm3;
	v29 =	vadd.f32 $1.600000000e+01, v40;
	v23 =	vmin.f32 v31, v27;
	v40 =	vld.idx.msk [tilespmem:v25+s11+$0x0], vm1  }
0x118: {  	v27 =	vtrunc.f32 v36;
	v31 =	vtrunc.f32 v24;
	v36 =	vadd.s32 v22, v19;
	v25 =	vld [tilespmem:s20+$0xFFFFFFF0]  }
0x119: {  	v24 =	vcvt.f32.s32 v43;
	vm2 =	vge.f32 v23, $-1.600000000e+01;
	v35 =	vadd.s32 v28, v35;
	v43 =	vld.idx.msk [tilespmem:v18+s10+$0x0], vm1  }
0x11a: {  	v39 =	vsub.f32 v39, v10;
	vm6 =	vge.f32 v41, $-1.600000000e+01;
	v19 =	vcvt.f32.s32 v31  }
0x11b: {  	v41 =	vadd.f32 $1.600000000e+01, v44;
	v18 =	vmin.f32 v30, v42;
	v46 =	vadd.s32 v32, v46;
	v30 =	vld [tilespmem:s19+$0xFFFFFFF0]  }
0x11c: {  	v23 =	vcvt.f32.s32 v26;
	v26 =	vadd.f32 $1.600000000e+01, v39;
	v28 =	vadd.f32 $1.600000000e+01, v42;
	v42 =	vld.idx.msk [tilespmem:v17+s10+$0x0], vm0  }
0x11d: {  	v22 =	vcvt.f32.s32 v27;
	v37 =	vadd.s32 v47, v37;
	v31 =	vsub.f32 v25, v10;
	v27 =	vld.idx.msk [tilespmem:v13+s10+$0x0], vm3;
	v13 =	vmovc v34  }
0x11e: {  	vm10 =	vge.f32 v33, $-1.600000000e+01;
	v17 =	vor.u32 v24, v23;
	v34 =	vtrunc.f32 v28;
	v28 =	vld.idx.msk [tilespmem:v16+s11+$0x0], vm3;
	[tilespmem:v36+s12+$0x0] =	vst.idx.msk vm7, v7  }
.Ltmp1:
0x11f: {  	vm4 =	vlt.u32 v17, $0x20;
	v25 =	vtrunc.f32 v26;
	v16 =	vtrunc.f32 v29;
	(pc) =	sbr.rel @p0 .LBB2_5-.Ltmp1, $4  }
0x120: {  	v32 =	vtrunc.f32 v38;
	v26 =	vtrunc.f32 v41;
	vm2 =	vmand vm2, vm4  }
0x121: {  	vm4 =	vge.f32 v18, $-1.600000000e+01;
	v18 =	vcvt.f32.s32 v26;
	v17 =	vcvt.f32.s32 v16;
	[tilespmem:v35+s12+$0x0] =	vst.idx.msk vm8, v7  }
0x122: {  	v26 =	vmin.f32 v44, v39;
	v16 =	vcvt.f32.s32 v34;
	v29 =	vadd.s32 v42, v21;
	[tilespmem:v37+s12+$0x0] =	vst.idx.msk vm9, v7  }
0x123: {  	s20 =	sadd.s32 $0x80, s20;
	s19 =	sadd.s32 $0x80, s19;
	v33 =	vsub.f32 v30, v9;
	v30 =	vadd.s32 v43, v40;
	v21 =	vcvt.f32.s32 v45;
	[tilespmem:v46+s12+$0x0] =	vst.idx.msk vm5, v7  }
0x124: {  	_ =	sdelay $0x1  }
0x125: {  	v34 =	vadd.f32 $1.600000000e+01, v31;
	vm7 =	vge.f32 v20, $-1.600000000e+01;
	v14 =	vmin.f32 v14, v15  }
0x126: {  	v15 =	vadd.f32 $1.600000000e+01, v15;
	v62 =	vor.u32 v22, v19;
	v32 =	vcvt.f32.s32 v32  }
0x127: {  	v10 =	vadd.f32 $1.600000000e+01, v33;
	v20 =	vmin.f32 v33, v31;
	vm5 =	vlt.u32 v62, $0x20  }
0x128: {  	vm15 =	vge.f32 v14, $-1.600000000e+01;
	v14 =	vld.idx.msk [tilespmem:v24+s10+$0x0], vm2;
	v24 =	vor.u32 v17, v21;
	v61 =	vtrunc.f32 v34  }
0x129: {  	v15 =	vtrunc.f32 v15;
	vm5 =	vmand vm10, vm5;
	vm8 =	vge.f32 v20, $-1.600000000e+01  }
0x12a: {  	v20 =	vor.u32 v32, v11;
	vm13 =	vlt.u32 v24, $0x20;
	v10 =	vtrunc.f32 v10  }
0x12b: {  	v31 =	vcvt.f32.s32 v61;
	vm6 =	vmand vm6, vm13;
	v10 =	vcvt.f32.s32 v10  }
0x12c: {  	v15 =	vcvt.f32.s32 v15;
	vm14 =	vlt.u32 v20, $0x20  }
0x12d: {  	vm7 =	vmand vm7, vm14;
	v63 =	vor.u32 v10, v31  }
0x12e: {  	v23 =	vld.idx.msk [tilespmem:v23+s11+$0x0], vm2;
	v20 =	vor.u32 v12, v15;
	vm9 =	vlt.u32 v63, $0x20  }
0x12f: {  	vm12 =	vlt.u32 v20, $0x20;
	v20 =	vcvt.f32.s32 v25;
	vm8 =	vmand vm8, vm9;
	v22 =	vld.idx.msk [tilespmem:v22+s10+$0x0], vm5  }
0x130: {  	vm9 =	vmand vm15, vm12;
	v19 =	vld.idx.msk [tilespmem:v19+s11+$0x0], vm5  }
0x131: {  	v24 =	vor.u32 v18, v20;
	v21 =	vld.idx.msk [tilespmem:v21+s11+$0x0], vm6  }
0x132: {  	vm11 =	vge.f32 v26, $-1.600000000e+01;
	vm14 =	vlt.u32 v24, $0x20;
	v17 =	vld.idx.msk [tilespmem:v17+s10+$0x0], vm6  }
0x133: {  	v24 =	vor.u32 v13, v16;
	vm10 =	vmand vm11, vm14;
	v11 =	vld.idx.msk [tilespmem:v11+s11+$0x0], vm7  }
0x134: {  	vm15 =	vlt.u32 v24, $0x20;
	v25 =	vld.idx.msk [tilespmem:v32+s10+$0x0], vm7  }
0x135: {  	vm4 =	vmand vm4, vm15;
	v10 =	vld.idx.msk [tilespmem:v10+s10+$0x0], vm8  }
0x136: {  	v15 =	vld.idx.msk [tilespmem:v15+s11+$0x0], vm9  }
0x137: {  	v24 =	vld.idx.msk [tilespmem:v31+s11+$0x0], vm8  }
0x138: {  	v14 =	vadd.s32 v14, v23;
	v12 =	vld.idx.msk [tilespmem:v12+s10+$0x0], vm9  }
0x139: {  	v20 =	vld.idx.msk [tilespmem:v20+s11+$0x0], vm10  }
0x13a: {  	v26 =	vadd.s32 v27, v28;
	v18 =	vld.idx.msk [tilespmem:v18+s10+$0x0], vm10  }
0x13b: {  	v19 =	vadd.s32 v22, v19;
	v13 =	vld.idx.msk [tilespmem:v13+s10+$0x0], vm4  }
0x13c: {  	[tilespmem:v29+s12+$0x0] =	vst.idx.msk vm0, v7;
	v16 =	vld.idx.msk [tilespmem:v16+s11+$0x0], vm4;
	v10 =	vadd.s32 v10, v24  }
0x13d: {  	[tilespmem:v14+s12+$0x0] =	vst.idx.msk vm2, v7;
	v14 =	vadd.s32 v17, v21  }
0x13e: {  	[tilespmem:v30+s12+$0x0] =	vst.idx.msk vm1, v7;
	v11 =	vadd.s32 v25, v11  }
0x13f: {  	[tilespmem:v26+s12+$0x0] =	vst.idx.msk vm3, v7;
	v12 =	vadd.s32 v12, v15  }
0x140: {  	[tilespmem:v19+s12+$0x0] =	vst.idx.msk vm5, v7;
	v15 =	vadd.s32 v18, v20  }
0x141: {  	[tilespmem:v10+s12+$0x0] =	vst.idx.msk vm8, v7;
	v10 =	vadd.s32 v13, v16  }
0x142: {  	[tilespmem:v14+s12+$0x0] =	vst.idx.msk vm6, v7  }
0x143: {  	[tilespmem:v11+s12+$0x0] =	vst.idx.msk vm7, v7  }
0x144: {  	[tilespmem:v12+s12+$0x0] =	vst.idx.msk vm9, v7  }
0x145: {  	[tilespmem:v15+s12+$0x0] =	vst.idx.msk vm10, v7  }
0x146: {  	[tilespmem:v10+s12+$0x0] =	vst.idx.msk vm4, v7  }
0x147: {  	s19 =	simm.s32 $0x2080;
	[tilespmem:v8+s8+$0x0] =	vst.idx.msk $0xffff, v9  }
0x148: {  	[tilespmem:s19+$0xFFFFFFF0] =	vst v5;
	v13 =	vld [tilespmem:s19+$0x0]  }
0x149: {  	[tilespmem:s19+$0x0] =	vst v5;
	v14 =	vld [tilespmem:s19+$0x10]  }
0x14a: {  	[tilespmem:s19+$0x10] =	vst v5;
	v9 =	vld [tilespmem:s19+$0x20]  }
0x14b: {  	[tilespmem:s19+$0x20] =	vst v5;
	v10 =	vld [tilespmem:s19+$0x30]  }
0x14c: {  	[tilespmem:s19+$0x30] =	vst v5;
	v8 =	vld [tilespmem:s19+$0x40]  }
0x14d: {  	[tilespmem:s19+$0x40] =	vst v5;
	v15 =	vld [tilespmem:s19+$0xFFFFFF80]  }
0x14e: {  	[tilespmem:s19+$0xFFFFFF80] =	vst v5;
	v16 =	vld [tilespmem:s19+$0xFFFFFF90]  }
0x14f: {  	[tilespmem:s19+$0xFFFFFF90] =	vst v5;
	v17 =	vld [tilespmem:s19+$0xFFFFFFA0]  }
0x150: {  	[tilespmem:s19+$0xFFFFFFA0] =	vst v5;
	v21 =	vld [tilespmem:s19+$0xFFFFFFB0]  }
0x151: {  	[tilespmem:s19+$0xFFFFFFB0] =	vst v5;
	v18 =	vld [tilespmem:s19+$0xFFFFFFC0]  }
0x152: {  	[tilespmem:s19+$0xFFFFFFC0] =	vst v5;
	v19 =	vld [tilespmem:s19+$0xFFFFFFD0]  }
0x153: {  	v12 =	vimm.f32 $0.0e+00;
	[tilespmem:s19+$0xFFFFFFD0] =	vst v5;
	v20 =	vld [tilespmem:s19+$0xFFFFFFE0]  }
0x154: {  	v11 =	vld [tilespmem:s19+$0x50];
	[tilespmem:s19+$0xFFFFFFE0] =	vst v5;
	v15 =	vadd.f32 v15, v12  }
0x155: {  	[tilespmem:s19+$0x50] =	vst v5;
	v23 =	vld [tilespmem:s19+$0xFFFFFFF0];
	v16 =	vadd.f32 v16, v12;
	v24 =	vadd.f32 v17, v12  }
0x156: {  	v22 =	vld [tilespmem:s19+$0x70];
	[tilespmem:s19+$0x70] =	vst v5;
	v25 =	vadd.f32 v21, v12;
	v17 =	vimm.f32 $0.0e+00;
	v13 =	vadd.f32 v13, v15  }
0x157: {  	s18 =	simm.s32 $0x0;
	v21 =	vld [tilespmem:s19+$0x60];
	[tilespmem:s19+$0x60] =	vst v5;
	s19 =	simm.s32 $0x2180;
	v14 =	vadd.f32 v14, v16;
	v15 =	vimm.f32 $0.0e+00;
	v16 =	vimm.f32 $0.0e+00  }
.LBB2_7:
0x158: {  	[tilespmem:s19+$0xFFFFFFF0] =	vst v5;
	v26 =	vld [tilespmem:s19+$0x0];
	v24 =	vadd.f32 v9, v24;
	v25 =	vadd.f32 v10, v25  }
0x159: {  	v12 =	vadd.f32 v18, v12;
	v15 =	vadd.f32 v19, v15;
	[tilespmem:s19+$0x0] =	vst v5;
	v27 =	vld [tilespmem:s19+$0x10]  }
0x15a: {  	v16 =	vadd.f32 v20, v16;
	[tilespmem:s19+$0x10] =	vst v5;
	v9 =	vld [tilespmem:s19+$0x20];
	v17 =	vadd.f32 v23, v17  }
0x15b: {  	v12 =	vadd.f32 v8, v12;
	v15 =	vadd.f32 v11, v15;
	[tilespmem:s19+$0x20] =	vst v5;
	v10 =	vld [tilespmem:s19+$0x30]  }
0x15c: {  	v16 =	vadd.f32 v21, v16;
	[tilespmem:s19+$0x30] =	vst v5;
	v8 =	vld [tilespmem:s19+$0x40];
	v17 =	vadd.f32 v22, v17  }
0x15d: {  	[tilespmem:s19+$0x40] =	vst v5;
	v11 =	vld [tilespmem:s19+$0x50]  }
0x15e: {  	v21 =	vld [tilespmem:s19+$0xFFFFFF80];
	[tilespmem:s19+$0xFFFFFF80] =	vst v5  }
0x15f: {  	v22 =	vld [tilespmem:s19+$0xFFFFFF90];
	[tilespmem:s19+$0xFFFFFF90] =	vst v5  }
0x160: {  	v28 =	vld [tilespmem:s19+$0xFFFFFFA0];
	[tilespmem:s19+$0xFFFFFFA0] =	vst v5  }
0x161: {  	s18 =	sadd.s32 $0x10, s18;
	v29 =	vld [tilespmem:s19+$0xFFFFFFB0];
	[tilespmem:s19+$0xFFFFFFB0] =	vst v5  }
0x162: {  	p0 =	slt.u32 s18, $0x30;
	v18 =	vld [tilespmem:s19+$0xFFFFFFC0];
	[tilespmem:s19+$0xFFFFFFC0] =	vst v5  }
.Ltmp2:
0x163: {  	v19 =	vld [tilespmem:s19+$0xFFFFFFD0];
	[tilespmem:s19+$0xFFFFFFD0] =	vst v5;
	(pc) =	sbr.rel @p0 .LBB2_7-.Ltmp2, $4  }
0x164: {  	v20 =	vld [tilespmem:s19+$0xFFFFFFE0];
	[tilespmem:s19+$0xFFFFFFE0] =	vst v5  }
0x165: {  	v13 =	vadd.f32 v21, v13;
	v14 =	vadd.f32 v22, v14;
	v23 =	vld [tilespmem:s19+$0xFFFFFFF0];
	[tilespmem:s19+$0x50] =	vst v5  }
0x166: {  	v24 =	vadd.f32 v28, v24;
	v25 =	vadd.f32 v29, v25;
	v21 =	vld [tilespmem:s19+$0x60];
	[tilespmem:s19+$0x60] =	vst v5  }
0x167: {  	v13 =	vadd.f32 v26, v13;
	v14 =	vadd.f32 v27, v14;
	v22 =	vld [tilespmem:s19+$0x70];
	[tilespmem:s19+$0x70] =	vst v5;
	s19 =	sadd.s32 $0x100, s19  }
0x168: {  	v9 =	vadd.f32 v9, v24;
	v10 =	vadd.f32 v10, v25  }
0x169: {  	v12 =	vadd.f32 v18, v12;
	v15 =	vadd.f32 v19, v15  }
0x16a: {  	v16 =	vadd.f32 v20, v16;
	v17 =	vadd.f32 v23, v17  }
0x16b: {  	v8 =	vadd.f32 v8, v12;
	v11 =	vadd.f32 v11, v15  }
0x16c: {  	v61 =	vadd.f32 v21, v16;
	v62 =	vadd.f32 v22, v17  }
0x16d: {  	v13 =	vadd.f32 v14, v13;
	v9 =	vadd.f32 v10, v9  }
0x16e: {  	s18 =	sshll.u32 s17, $0x4;
	s17 =	sadd.s32 $0x1, s17;
	v8 =	vadd.f32 v11, v8;
	v63 =	vadd.f32 v62, v61  }
0x16f: {  	p0 =	sne.s32 s17, $0x40  }
.Ltmp3:
0x170: {  	v9 =	vadd.f32 v9, v13;
	v8 =	vadd.f32 v63, v8;
	(pc) =	sbr.rel @p0 .LBB2_4-.Ltmp3, $4  }
0x171: {  	_ = 	snop  }
0x172: {  	v8 =	vadd.f32 v8, v9  }
0x173: {  	s18 =	sand.u32 $0x3FFFFFF0, s18  }
0x174: {  	[tilespmem:s18+$0x2400] =	vst v8  }
0x175: {  	s16 =	sadd.s32 $0x1, s16  }
0x176: {  	p0 =	sne.s32 s16, s6  }
.Ltmp4:
0x177: {  	_ = 	snop;
	(pc) =	sbr.rel @p0 .LBB2_1-.Ltmp4, $4  }
0x178: {  	[hbm4b:s5+s13] =	stream.strided.scatter [tilespmem:s15], [sflag:$0x1], $0x400, s14, s13, $0x38;
	[tilespmem:$0x2900] =	vst v63  }
0x179: {  	_ =	swait.ge [sflag:s7], $0x400  }
0x17a: {  	[sflag:s7] =	ssyncset.done $0x0  }
0x17b: {  	[sflag:s7] =	ssyncadd.s32 $0xFFFFFC00  }
0x17c: {  	_ =	sfence.sel $0x180000  }
0x17d: {  	[bflag:$0x0] =	sbarrier.arrive $0xFFFF  }
0x17e: {  	p0 =	sne.s32 s2, $0x0;
	_ =	strace $0x90000047  }
0x17f: {  	s0 =	sadd.s32 @!p0 $0x100000, s0;
	[bflag:$0x2] =	sbarrier.arrive $0xFFFF  }
0x180: {  	[sflag:s0] =	ssyncadd.tile.s32 @!p0 $0x1;
	_ =	shalt  }
.Lfunc_end2:
_tile_overlayer_lowered:
.L_overlay_start_2:
0x181: {  	(tag) =	ssettag $0x2  }
0x182: {  	s0 =	rddreg [dreg:$0x0];
	s2 =	stileid.u32  }
0x183: {  	s1 =	rddreg [dreg:$0x1];
	p0 =	sne.s32 s2, $0x0  }
0x184: {  	s3 =	rddreg [dreg:$0x2];
	[bflag:$0x3] =	sbarrier.arrive $0xFFFF;
	s2 =	simm.s32 @!p0 $0x1C01  }
0x185: {  	[timem:s3], [sflag:s2] =	dma.local @!p0 [hbm:s0], s1  }
0x186: {  	s0 =	simm.s32 @!p0 $0x1  }
0x187: {  	_ =	swait.ge @!p0 [sflag:s0], s1  }
0x188: {  	s1 =	ssub.s32 @!p0 $0x0, s1;
	[sflag:s0] =	ssyncset.done @!p0 $0x0  }
0x189: {  	[sflag:s0] =	ssyncadd.s32 @!p0 s1  }
0x18a: {  	[bflag:$0x3] =	sbarrier.arrive $0xFFFF  }
0x18b: {  	_ =	shalt  }

</sc_bundles>
